<compile_context>
chip_gen: v7x
topology: tpu7x:2x2x1
jax: 0.10.2.dev20260603
libtpu: 0.0.44.dev20260713+nightly
codegen_flags: <defaults>
</compile_context>

<pallas_src>
import functools

import jax
import jax.numpy as jnp
from jax import lax
from jax.experimental import pallas as pl
from jax.experimental.pallas import tpu as pltpu
from jax.experimental.pallas import tpu_sc as plsc

RADIUS = 0.2
KNBR = 32
STRIDE = 4
EPS = 1e-5

_SUB = 8


def _fps_kernel(xyz_cl_ref, rows_ref, new_ref):
    B = xyz_cl_ref.shape[0]
    CL = xyz_cl_ref.shape[2]
    N = CL * _SUB
    S = new_ref.shape[1]
    coords = []
    for b in range(B):
        coords.append((xyz_cl_ref[b, 0:_SUB, :],
                       xyz_cl_ref[b, _SUB:2 * _SUB, :],
                       xyz_cl_ref[b, 2 * _SUB:3 * _SUB, :]))
    n_iota = (lax.broadcasted_iota(jnp.int32, (_SUB, CL), 0) * CL
              + lax.broadcasted_iota(jnp.int32, (_SUB, CL), 1))

    def body(i, carry):
        out = []
        for b in range(B):
            far, dists = carry[b]
            X, Y, Z = coords[b]
            row = rows_ref[b, pl.ds(far, 1), :]
            new_ref[b, pl.ds(i, 1), :] = row
            cx = row[:, 0:1]
            cy = row[:, 1:2]
            cz = row[:, 2:3]
            dx = X - cx
            dy = Y - cy
            dz = Z - cz
            d = (dx * dx + dy * dy) + dz * dz
            dists = jnp.minimum(dists, d)
            v0, i0 = dists, n_iota
            half = CL // 2
            while half >= 128:
                va, vb = v0[:, :half], v0[:, half:]
                ia, ib = i0[:, :half], i0[:, half:]
                take = (va > vb) | ((va == vb) & (ia < ib))
                v0 = jnp.where(take, va, vb)
                i0 = jnp.where(take, ia, ib)
                half //= 2
            m = jnp.max(v0)
            nxt = jnp.min(jnp.where(v0 == m, i0, N))
            out.append((nxt.astype(jnp.int32), dists))
        return tuple(out)

    init = tuple((jnp.int32(0), jnp.full((_SUB, CL), 1e10, dtype=jnp.float32))
                 for _ in range(B))
    lax.fori_loop(0, S, body, init)


def _ballq_kernel(xyzT_ref, new_ref, idx_ref):
    b = pl.program_id(0)
    N = xyzT_ref.shape[2]
    QT = new_ref.shape[1]
    q = new_ref[0]
    dx = q[:, 0:1] - xyzT_ref[0, 0:1, :]
    dy = q[:, 1:2] - xyzT_ref[0, 1:2, :]
    dz = q[:, 2:3] - xyzT_ref[0, 2:3, :]
    d2 = (dx * dx + dy * dy) + dz * dz
    mask = (d2 < RADIUS * RADIUS).astype(jnp.int32)
    lane = lax.broadcasted_iota(jnp.int32, (QT, N), 1)
    c = mask
    sh = 1
    while sh < N:
        rolled = jnp.roll(c, sh, axis=1)
        c = c + jnp.where(lane >= sh, rolled, 0)
        sh *= 2
    cols = []
    cnt0 = jnp.sum((c <= 0).astype(jnp.int32), axis=1, keepdims=True)
    pad = jnp.where(cnt0 >= N, 0, cnt0)
    cols.append(pad)
    for j in range(1, KNBR):
        cj = jnp.sum((c <= j).astype(jnp.int32), axis=1, keepdims=True)
        cols.append(jnp.where(cj >= N, pad, cj))
    idx_ref[0] = jnp.concatenate(cols, axis=1) + b * N


def _dense_kernel(x_ref, xyzT_ref, w1f_ref, w1x_ref, b1_ref, z_ref):
    zf = lax.dot_general(x_ref[0], w1f_ref[...], (((0,), (1,)), ((), ())),
                         preferred_element_type=jnp.float32)
    zx = lax.dot_general(xyzT_ref[0], w1x_ref[...], (((0,), (1,)), ((), ())),
                         preferred_element_type=jnp.float32)
    z_ref[0] = (zf + zx) + b1_ref[...]


def _gather_rows(table, gidx):
    R = gidx.shape[0]
    D = table.shape[1]
    info = plsc.get_sparse_core_info()
    NC, NS = info.num_cores, info.num_subcores
    NW = NC * NS
    per_w = R // NW
    CH = 128
    steps = per_w // CH
    mesh = plsc.VectorSubcoreMesh(core_axis_name="c", subcore_axis_name="s")

    @functools.partial(
        pl.kernel,
        mesh=mesh,
        out_type=jax.ShapeDtypeStruct((R, D), jnp.float32),
        scratch_types=[
            pltpu.VMEM((CH,), jnp.int32),
            pltpu.VMEM((CH, D), jnp.float32),
            pltpu.SemaphoreType.DMA,
        ],
    )
    def gk(table_hbm, gidx_hbm, out_hbm, idx_v, rows_v, sem):
        wid = lax.axis_index("s") * NC + lax.axis_index("c")
        base = wid * per_w

        def step(i, carry):
            off = base + i * CH
            pltpu.sync_copy(gidx_hbm.at[pl.ds(off, CH)], idx_v)
            pltpu.async_copy(table_hbm.at[idx_v], rows_v, sem).wait()
            pltpu.sync_copy(rows_v, out_hbm.at[pl.ds(off, CH)])
            return carry

        lax.fori_loop(0, steps, step, 0)

    return gk(table, gidx)


def _mlp_kernel(g_ref, new_ref, w2_ref, b2_ref, w1x_ref, out_ref):
    QT, K, C1 = g_ref.shape
    C2 = out_ref.shape[1]
    q = new_ref[0]
    v = lax.dot_general(q, w1x_ref[...], (((1,), (1,)), ((), ())),
                        preferred_element_type=jnp.float32)
    h = jnp.maximum(g_ref[...] - v[:, None, :], 0.0)
    o = lax.dot_general(h.reshape(QT * K, C1), w2_ref[...],
                        (((1,), (1,)), ((), ())),
                        preferred_element_type=jnp.float32)
    o = o + b2_ref[...]
    out_ref[...] = jnp.max(o.reshape(QT, K, C2), axis=1)


def _bn_kernel(p_ref, gamma_ref, beta_ref, out_ref):
    p = p_ref[...]
    n = p.shape[0]
    mean = jnp.sum(p, axis=0, keepdims=True) / n
    d = p - mean
    var = jnp.sum(d * d, axis=0, keepdims=True) / n
    out_ref[...] = d / jnp.sqrt(var + EPS) * gamma_ref[...] + beta_ref[...]


def kernel(xyz, x, W1, b1, W2, b2, gamma, beta):
    B, N, _ = xyz.shape
    C0 = x.shape[1]
    C1 = W1.shape[0]
    C2 = W2.shape[0]
    S = N // STRIDE
    QT = 128
    QT2 = 128

    xyzT = jnp.transpose(xyz, (0, 2, 1))
    xyz_cl = xyzT.reshape(B, 3 * _SUB, N // _SUB)
    W1x = W1[:, :3]
    W1f = W1[:, 3:]
    b1r = b1.reshape(1, C1)
    b2r = b2.reshape(1, C2)
    gammar = gamma.reshape(1, C2)
    betar = beta.reshape(1, C2)

    new_xyz = pl.pallas_call(
        _fps_kernel,
        in_specs=[
            pl.BlockSpec((B, 3 * _SUB, N // _SUB), lambda: (0, 0, 0)),
            pl.BlockSpec((B, N, 3), lambda: (0, 0, 0)),
        ],
        out_specs=pl.BlockSpec((B, S, 3), lambda: (0, 0, 0)),
        out_shape=jax.ShapeDtypeStruct((B, S, 3), jnp.float32),
    )(xyz_cl, xyz)

    gidx = pl.pallas_call(
        _ballq_kernel,
        grid=(B, S // QT),
        in_specs=[
            pl.BlockSpec((1, 3, N), lambda b, t: (b, 0, 0)),
            pl.BlockSpec((1, QT, 3), lambda b, t: (b, t, 0)),
        ],
        out_specs=pl.BlockSpec((1, QT, KNBR), lambda b, t: (b, t, 0)),
        out_shape=jax.ShapeDtypeStruct((B, S, KNBR), jnp.int32),
    )(xyzT, new_xyz)

    z = pl.pallas_call(
        _dense_kernel,
        grid=(B,),
        in_specs=[
            pl.BlockSpec((1, C0, N), lambda b: (b, 0, 0)),
            pl.BlockSpec((1, 3, N), lambda b: (b, 0, 0)),
            pl.BlockSpec((C1, C0), lambda b: (0, 0)),
            pl.BlockSpec((C1, 3), lambda b: (0, 0)),
            pl.BlockSpec((1, C1), lambda b: (0, 0)),
        ],
        out_specs=pl.BlockSpec((1, N, C1), lambda b: (b, 0, 0)),
        out_shape=jax.ShapeDtypeStruct((B, N, C1), jnp.float32),
    )(x, xyzT, W1f, W1x, b1r)

    g = _gather_rows(z.reshape(B * N, C1), gidx.reshape(B * S * KNBR))
    g3 = g.reshape(B * S, KNBR, C1)

    nt = S // QT2
    pooled = pl.pallas_call(
        _mlp_kernel,
        grid=(B, nt),
        in_specs=[
            pl.BlockSpec((QT2, KNBR, C1), lambda b, t: (b * nt + t, 0, 0)),
            pl.BlockSpec((1, QT2, 3), lambda b, t: (b, t, 0)),
            pl.BlockSpec((C2, C1), lambda b, t: (0, 0)),
            pl.BlockSpec((1, C2), lambda b, t: (0, 0)),
            pl.BlockSpec((C1, 3), lambda b, t: (0, 0)),
        ],
        out_specs=pl.BlockSpec((QT2, C2), lambda b, t: (b * nt + t, 0)),
        out_shape=jax.ShapeDtypeStruct((B * S, C2), jnp.float32),
    )(g3, new_xyz, W2, b2r, W1x)

    bnout = pl.pallas_call(
        _bn_kernel,
        in_specs=[
            pl.BlockSpec((B * S, C2), lambda: (0, 0)),
            pl.BlockSpec((1, C2), lambda: (0, 0)),
            pl.BlockSpec((1, C2), lambda: (0, 0)),
        ],
        out_specs=pl.BlockSpec((B * S, C2), lambda: (0, 0)),
        out_shape=jax.ShapeDtypeStruct((B * S, C2), jnp.float32),
    )(pooled, gammar, betar)

    feat = jnp.transpose(bnout.reshape(B, S, C2), (0, 2, 1))
    return (new_xyz, feat)

# --- scband reference (transcript-rebuilt; emitter-appended) ---
"""Pipeline reference for scband-set-abstraction-76622216561210 (READ-ONLY COPY).

The authoritative reference and input builder live on the scoring server;
editing this copy changes nothing except your own understanding.
"""

import jax, jax.numpy as jnp
import numpy as np

RADIUS = 0.2
K = 32
STRIDE = 4
EPS = 1e-5


def fps(xyz, npoint):
    # furthest point sampling, deterministic start at index 0 (matches pointnet2 CUDA op)
    B, N, _ = xyz.shape
    def body(state, _):
        dists, farthest = state
        centroid = jnp.take_along_axis(xyz, farthest[:, None, None], axis=1)  # [B,1,3]
        d = jnp.sum((xyz - centroid) ** 2, axis=-1)  # [B,N]
        dists = jnp.minimum(dists, d)
        nxt = jnp.argmax(dists, axis=-1).astype(jnp.int32)
        return (dists, nxt), farthest
    init = (jnp.full((B, N), 1e10, dtype=xyz.dtype), jnp.zeros((B,), dtype=jnp.int32))
    _, idxs = jax.lax.scan(body, init, jnp.arange(npoint))
    return jnp.transpose(idxs)  # [B, npoint]


def ball_query(xyz, new_xyz, radius, k):
    # returns first k point indices (in original order) within radius, padded with first hit
    d2 = jnp.sum((new_xyz[:, :, None, :] - xyz[:, None, :, :]) ** 2, axis=-1)  # [B,S,N]
    N = xyz.shape[1]
    ar = jnp.arange(N, dtype=jnp.int32)
    key = jnp.where(d2 < radius * radius, ar[None, None, :], N)
    firstk = jnp.sort(key, axis=-1)[..., :k]
    first = firstk[..., :1]
    idx = jnp.where(firstk == N, first, firstk)
    idx = jnp.where(idx == N, 0, idx)
    return idx.astype(jnp.int32)


def gather_points(pts, idx):
    # pts: [B, N, C], idx: [B, ...] -> [B, ..., C]
    return jax.vmap(lambda p, i: p[i])(pts, idx)


def setup_inputs(seed: int = 0):
    key = jax.random.key(seed)
    ks = jax.random.split(key, 8)
    B, N, C0, C1, C2 = 2, 8192, 128, 128, 256
    xyz = jax.random.uniform(ks[0], (B, N, 3), dtype=jnp.float32)
    x = jax.random.normal(ks[1], (B, C0, N), dtype=jnp.float32)
    s1 = 1.0 / np.sqrt(3 + C0)
    W1 = jax.random.uniform(ks[2], (C1, 3 + C0), jnp.float32, -s1, s1)
    b1 = jax.random.uniform(ks[3], (C1,), jnp.float32, -s1, s1)
    s2 = 1.0 / np.sqrt(C1)
    W2 = jax.random.uniform(ks[4], (C2, C1), jnp.float32, -s2, s2)
    b2 = jax.random.uniform(ks[5], (C2,), jnp.float32, -s2, s2)
    gamma = jnp.ones((C2,), jnp.float32)
    beta = jnp.zeros((C2,), jnp.float32)
    return {"xyz": xyz, "x": x, "W1": W1, "b1": b1, "W2": W2, "b2": b2, "gamma": gamma, "beta": beta}


def reference(xyz, x, W1, b1, W2, b2, gamma, beta):
    B, N, _ = xyz.shape
    npoint = N // STRIDE
    fps_idx = fps(xyz, npoint)                                   # [B, S]
    new_xyz = gather_points(xyz, fps_idx)                        # [B, S, 3]
    idx = ball_query(xyz, new_xyz, RADIUS, K)                    # [B, S, K]
    grouped_xyz = gather_points(xyz, idx)                        # [B, S, K, 3]
    rel_xyz = grouped_xyz - new_xyz[:, :, None, :]
    grouped_feat = gather_points(jnp.transpose(x, (0, 2, 1)), idx)  # [B, S, K, C0]
    group = jnp.concatenate([rel_xyz, grouped_feat], axis=-1)    # [B, S, K, 3+C0] (use_xyz=True)
    h = jax.nn.relu(jnp.einsum('oc,bskc->bsko', W1, group) + b1)
    out = jnp.einsum('oc,bskc->bsko', W2, h) + b2                # [B, S, K, C2]
    feat = jnp.max(out, axis=2)                                  # [B, S, C2]
    # BatchNorm1d (training-mode batch stats over batch and point dims)
    mean = jnp.mean(feat, axis=(0, 1))
    var = jnp.var(feat, axis=(0, 1))
    feat = (feat - mean) / jnp.sqrt(var + EPS) * gamma + beta
    feat = jnp.transpose(feat, (0, 2, 1))                        # [B, C2, S]
    return (new_xyz, feat)

if __name__ == "__main__":
    import jax
    _d = setup_inputs()
    print(jax.jit(kernel)(*tuple(_d.values())))

</pallas_src>

<mosaic_0001>
#map = affine_map<(d0, d1) -> (0, 0)>
#map1 = affine_map<(d0, d1) -> (0)>
module attributes {stable_mosaic.version = 14 : i64} {
  func.func @gk(%arg0: i32, %arg1: i32, %arg2: memref<16384x128xf32, #tpu.memory_space<hbm>>, %arg3: memref<131072xi32, #tpu.memory_space<hbm>>, %arg4: memref<131072x128xf32, #tpu.memory_space<hbm>>, %arg5: memref<128xi32, #tpu.memory_space<vmem>>, %arg6: memref<128x128xf32, #tpu.memory_space<vmem>>, %arg7: memref<!tpu.dma_semaphore, #tpu.memory_space<semaphore_mem>>) attributes {dimension_semantics = [#tpu.dimension_semantics<core_parallel>, #tpu.dimension_semantics<subcore_parallel>], iteration_bounds = array<i64: 2, 16>, scalar_prefetch = 0 : i64, scratch_operands = 3 : i64, tpu.core_type = #tpu.core_type<sc_vector_subcore>, window_params = [{transform_indices = #map}, {transform_indices = #map1}, {transform_indices = #map}]} {
    %mul3A = arith.constant 2 : i32
    %mul3A_0 = arith.muli %arg1, %mul3A : i32
    %add3A = arith.addi %mul3A_0, %arg0 : i32
    %mul3A_1 = arith.constant 4096 : i32
    %mul3A_2 = arith.muli %add3A, %mul3A_1 : i32
    %scan3A = arith.constant 0 : i32
    %scan3A_3 = arith.constant 0 : i32
    %scan3A_4 = arith.constant 32 : i32
    %scan3A_5 = arith.addi %scan3A_3, %scan3A_4 : i32
    %scan3A_6 = arith.constant 1 : i32
    scf.for %scan3A_8 = %scan3A_3 to %scan3A_5 step %scan3A_6  : i32 {
      %mul3A_9 = arith.constant 128 : i32
      %mul3A_10 = arith.muli %scan3A_8, %mul3A_9 : i32
      %add3A_11 = arith.addi %mul3A_2, %mul3A_10 : i32
      "tpu.region"() ({
        %run_scoped3A = tpu.sem_alloc : memref<!tpu.dma_semaphore, #tpu.memory_space<semaphore_mem>>
        %dma_start3A_16 = tpu.memref_slice %arg3[%add3A_11] : memref<131072xi32, #tpu.memory_space<hbm>> -> memref<128xi32, #tpu.memory_space<hbm>>
        %dma_start3A_17 = tpu.memref_slice %arg3[%add3A_11] : memref<131072xi32, #tpu.memory_space<hbm>> -> memref<128xi32, #tpu.memory_space<hbm>>
        tpu.enqueue_dma source(%dma_start3A_17 : memref<128xi32, #tpu.memory_space<hbm>>) target(%arg5 : memref<128xi32, #tpu.memory_space<vmem>>) target_semaphore(%run_scoped3A : memref<!tpu.dma_semaphore, #tpu.memory_space<semaphore_mem>>)
        %dma_wait3A_18 = tpu.memref_slice %arg3[%add3A_11] : memref<131072xi32, #tpu.memory_space<hbm>> -> memref<128xi32, #tpu.memory_space<hbm>>
        %dma_wait3A_19 = tpu.memref_slice %arg3[%add3A_11] : memref<131072xi32, #tpu.memory_space<hbm>> -> memref<128xi32, #tpu.memory_space<hbm>>
        tpu.wait_dma2 semaphore(%run_scoped3A : memref<!tpu.dma_semaphore, #tpu.memory_space<semaphore_mem>>) src(%dma_wait3A_19 : memref<128xi32, #tpu.memory_space<hbm>>) dst(%arg5 : memref<128xi32, #tpu.memory_space<vmem>>)
        tpu.yield
      }) : () -> ()
      %dma_start3A = arith.constant 0 : i32
      %dma_start3A_12 = arith.constant 0 : i32
      %dma_start3A_13 = tpu.memref_slice %arg2[%dma_start3A, %dma_start3A_12] : memref<16384x128xf32, #tpu.memory_space<hbm>> -> memref<16384x128xf32, #tpu.memory_space<hbm>>
      tpu.enqueue_indirect_dma source(%dma_start3A_13 : memref<16384x128xf32, #tpu.memory_space<hbm>>) target(%arg6 : memref<128x128xf32, #tpu.memory_space<vmem>>) offsets(%arg5 : memref<128xi32, #tpu.memory_space<vmem>>) semaphore(%arg7 : memref<!tpu.dma_semaphore, #tpu.memory_space<semaphore_mem>>)
      %dma_wait3A = arith.constant 0 : i32
      %dma_wait3A_14 = arith.constant 0 : i32
      %dma_wait3A_15 = tpu.memref_slice %arg2[%dma_wait3A, %dma_wait3A_14] : memref<16384x128xf32, #tpu.memory_space<hbm>> -> memref<16384x128xf32, #tpu.memory_space<hbm>>
      tpu.wait_indirect_dma semaphore(%arg7 : memref<!tpu.dma_semaphore, #tpu.memory_space<semaphore_mem>>) src(%dma_wait3A_15 : memref<16384x128xf32, #tpu.memory_space<hbm>>) dst(%arg6 : memref<128x128xf32, #tpu.memory_space<vmem>>)
      "tpu.region"() ({
        %run_scoped3A = tpu.sem_alloc : memref<!tpu.dma_semaphore, #tpu.memory_space<semaphore_mem>>
        %dma_start3A_16 = arith.constant 0 : i32
        %dma_start3A_17 = tpu.memref_slice %arg4[%add3A_11, %dma_start3A_16] : memref<131072x128xf32, #tpu.memory_space<hbm>> -> memref<128x128xf32, #tpu.memory_space<hbm>>
        %dma_start3A_18 = arith.constant 0 : i32
        %dma_start3A_19 = tpu.memref_slice %arg4[%add3A_11, %dma_start3A_18] : memref<131072x128xf32, #tpu.memory_space<hbm>> -> memref<128x128xf32, #tpu.memory_space<hbm>>
        tpu.enqueue_dma source(%arg6 : memref<128x128xf32, #tpu.memory_space<vmem>>) target(%dma_start3A_19 : memref<128x128xf32, #tpu.memory_space<hbm>>) target_semaphore(%run_scoped3A : memref<!tpu.dma_semaphore, #tpu.memory_space<semaphore_mem>>)
        %dma_wait3A_20 = arith.constant 0 : i32
        %dma_wait3A_21 = tpu.memref_slice %arg4[%add3A_11, %dma_wait3A_20] : memref<131072x128xf32, #tpu.memory_space<hbm>> -> memref<128x128xf32, #tpu.memory_space<hbm>>
        %dma_wait3A_22 = arith.constant 0 : i32
        %dma_wait3A_23 = tpu.memref_slice %arg4[%add3A_11, %dma_wait3A_22] : memref<131072x128xf32, #tpu.memory_space<hbm>> -> memref<128x128xf32, #tpu.memory_space<hbm>>
        tpu.wait_dma2 semaphore(%run_scoped3A : memref<!tpu.dma_semaphore, #tpu.memory_space<semaphore_mem>>) src(%arg6 : memref<128x128xf32, #tpu.memory_space<vmem>>) dst(%dma_wait3A_23 : memref<128x128xf32, #tpu.memory_space<hbm>>)
        tpu.yield
      }) : () -> ()
    }
    %scan3A_7 = arith.constant 32 : i32
    return
  }
}

module attributes {stable_mosaic.version = 14 : i64} {
  func.func @_ballq_kernel(%arg0: i32, %arg1: i32, %arg2: memref<1x3x8192xf32, #tpu.memory_space<vmem>>, %arg3: memref<1x128x3xf32, #tpu.memory_space<vmem>>, %arg4: memref<1x128x32xi32, #tpu.memory_space<vmem>>) attributes {dimension_semantics = [#tpu.dimension_semantics<arbitrary>, #tpu.dimension_semantics<arbitrary>], iteration_bounds = array<i64: 2, 16>, scalar_prefetch = 0 : i64, scratch_operands = 0 : i64, tpu.core_type = #tpu.core_type<tc>, window_params = [{transform_indices = @transform_0, window_bounds = array<i64: 1, 3, 8192>}, {transform_indices = @transform_1, window_bounds = array<i64: 1, 128, 3>}, {transform_indices = @transform_2, window_bounds = array<i64: 1, 128, 32>}]} {
    %get3A = arith.constant 0 : index
    %get3A_0 = arith.constant 0 : index
    %get3A_1 = arith.constant 0 : index
    %get3A_2 = vector.load %arg3[%get3A, %get3A_0, %get3A_1] : memref<1x128x3xf32, #tpu.memory_space<vmem>>, vector<1x128x3xf32>
    %get3A_3 = vector.shape_cast %get3A_2 : vector<1x128x3xf32> to vector<128x3xf32>
    %slice3A = vector.extract_strided_slice %get3A_3 {offsets = [0, 0], sizes = [128, 1], strides = [1, 1]} : vector<128x3xf32> to vector<128x1xf32>
    %get3A_4 = arith.constant 0 : index
    %get3A_5 = arith.constant 0 : index
    %get3A_6 = arith.constant 0 : index
    %get3A_7 = vector.load %arg2[%get3A_4, %get3A_5, %get3A_6] : memref<1x3x8192xf32, #tpu.memory_space<vmem>>, vector<1x1x8192xf32>
    %get3A_8 = vector.shape_cast %get3A_7 : vector<1x1x8192xf32> to vector<1x8192xf32>
    %sub3A = vector.broadcast %slice3A : vector<128x1xf32> to vector<128x8192xf32>
    %sub3A_9 = vector.broadcast %get3A_8 : vector<1x8192xf32> to vector<128x8192xf32>
    %sub3A_10 = arith.subf %sub3A, %sub3A_9 : vector<128x8192xf32>
    %slice3A_11 = vector.extract_strided_slice %get3A_3 {offsets = [0, 1], sizes = [128, 1], strides = [1, 1]} : vector<128x3xf32> to vector<128x1xf32>
    %get3A_12 = arith.constant 0 : index
    %get3A_13 = arith.constant 1 : index
    %get3A_14 = arith.constant 0 : index
    %get3A_15 = vector.load %arg2[%get3A_12, %get3A_13, %get3A_14] : memref<1x3x8192xf32, #tpu.memory_space<vmem>>, vector<1x1x8192xf32>
    %get3A_16 = vector.shape_cast %get3A_15 : vector<1x1x8192xf32> to vector<1x8192xf32>
    %sub3A_17 = vector.broadcast %slice3A_11 : vector<128x1xf32> to vector<128x8192xf32>
    %sub3A_18 = vector.broadcast %get3A_16 : vector<1x8192xf32> to vector<128x8192xf32>
    %sub3A_19 = arith.subf %sub3A_17, %sub3A_18 : vector<128x8192xf32>
    %slice3A_20 = vector.extract_strided_slice %get3A_3 {offsets = [0, 2], sizes = [128, 1], strides = [1, 1]} : vector<128x3xf32> to vector<128x1xf32>
    %get3A_21 = arith.constant 0 : index
    %get3A_22 = arith.constant 2 : index
    %get3A_23 = arith.constant 0 : index
    %get3A_24 = vector.load %arg2[%get3A_21, %get3A_22, %get3A_23] : memref<1x3x8192xf32, #tpu.memory_space<vmem>>, vector<1x1x8192xf32>
    %get3A_25 = vector.shape_cast %get3A_24 : vector<1x1x8192xf32> to vector<1x8192xf32>
    %sub3A_26 = vector.broadcast %slice3A_20 : vector<128x1xf32> to vector<128x8192xf32>
    %sub3A_27 = vector.broadcast %get3A_25 : vector<1x8192xf32> to vector<128x8192xf32>
    %sub3A_28 = arith.subf %sub3A_26, %sub3A_27 : vector<128x8192xf32>
    %mul3A = arith.mulf %sub3A_10, %sub3A_10 : vector<128x8192xf32>
    %mul3A_29 = arith.mulf %sub3A_19, %sub3A_19 : vector<128x8192xf32>
    %add3A = arith.addf %mul3A, %mul3A_29 : vector<128x8192xf32>
    %mul3A_30 = arith.mulf %sub3A_28, %sub3A_28 : vector<128x8192xf32>
    %add3A_31 = arith.addf %add3A, %mul3A_30 : vector<128x8192xf32>
    %lt3A = arith.constant 4.000000e-02 : f32
    %lt3A_32 = vector.broadcast %lt3A : f32 to vector<128x8192xf32>
    %lt3A_33 = arith.cmpf olt, %add3A_31, %lt3A_32 : vector<128x8192xf32>
    %convert_element_type3A = arith.extui %lt3A_33 : vector<128x8192xi1> to vector<128x8192xi32>
    %iota3A = tpu.iota {dimensions = array<i32: 1>} : vector<128x8192xi32>
    %slice3A_34 = vector.extract_strided_slice %convert_element_type3A {offsets = [0, 8191], sizes = [128, 1], strides = [1, 1]} : vector<128x8192xi32> to vector<128x1xi32>
    %slice3A_35 = vector.extract_strided_slice %convert_element_type3A {offsets = [0, 0], sizes = [128, 8191], strides = [1, 1]} : vector<128x8192xi32> to vector<128x8191xi32>
    %concatenate3A = tpu.concatenate %slice3A_34, %slice3A_35 in 1 : vector<128x1xi32>, vector<128x8191xi32> -> vector<128x8192xi32>
    %ge3A = arith.constant 1 : i32
    %ge3A_36 = vector.broadcast %ge3A : i32 to vector<128x8192xi32>
    %ge3A_37 = arith.cmpi sge, %iota3A, %ge3A_36 : vector<128x8192xi32>
    %jit3A = arith.constant 0 : i32
    %broadcast_in_dim3A = vector.broadcast %jit3A : i32 to vector<128x8192xi32>
    %select_n3A = arith.select %ge3A_37, %concatenate3A, %broadcast_in_dim3A : vector<128x8192xi1>, vector<128x8192xi32>
    %add3A_38 = arith.addi %convert_element_type3A, %select_n3A : vector<128x8192xi32>
    %slice3A_39 = vector.extract_strided_slice %add3A_38 {offsets = [0, 8190], sizes = [128, 2], strides = [1, 1]} : vector<128x8192xi32> to vector<128x2xi32>
    %slice3A_40 = vector.extract_strided_slice %add3A_38 {offsets = [0, 0], sizes = [128, 8190], strides = [1, 1]} : vector<128x8192xi32> to vector<128x8190xi32>
    %concatenate3A_41 = tpu.concatenate %slice3A_39, %slice3A_40 in 1 : vector<128x2xi32>, vector<128x8190xi32> -> vector<128x8192xi32>
    %ge3A_42 = arith.constant 2 : i32
    %ge3A_43 = vector.broadcast %ge3A_42 : i32 to vector<128x8192xi32>
    %ge3A_44 = arith.cmpi sge, %iota3A, %ge3A_43 : vector<128x8192xi32>
    %jit3A_45 = arith.constant 0 : i32
    %broadcast_in_dim3A_46 = vector.broadcast %jit3A_45 : i32 to vector<128x8192xi32>
    %select_n3A_47 = arith.select %ge3A_44, %concatenate3A_41, %broadcast_in_dim3A_46 : vector<128x8192xi1>, vector<128x8192xi32>
    %add3A_48 = arith.addi %add3A_38, %select_n3A_47 : vector<128x8192xi32>
    %slice3A_49 = vector.extract_strided_slice %add3A_48 {offsets = [0, 8188], sizes = [128, 4], strides = [1, 1]} : vector<128x8192xi32> to vector<128x4xi32>
    %slice3A_50 = vector.extract_strided_slice %add3A_48 {offsets = [0, 0], sizes = [128, 8188], strides = [1, 1]} : vector<128x8192xi32> to vector<128x8188xi32>
    %concatenate3A_51 = tpu.concatenate %slice3A_49, %slice3A_50 in 1 : vector<128x4xi32>, vector<128x8188xi32> -> vector<128x8192xi32>
    %ge3A_52 = arith.constant 4 : i32
    %ge3A_53 = vector.broadcast %ge3A_52 : i32 to vector<128x8192xi32>
    %ge3A_54 = arith.cmpi sge, %iota3A, %ge3A_53 : vector<128x8192xi32>
    %jit3A_55 = arith.constant 0 : i32
    %broadcast_in_dim3A_56 = vector.broadcast %jit3A_55 : i32 to vector<128x8192xi32>
    %select_n3A_57 = arith.select %ge3A_54, %concatenate3A_51, %broadcast_in_dim3A_56 : vector<128x8192xi1>, vector<128x8192xi32>
    %add3A_58 = arith.addi %add3A_48, %select_n3A_57 : vector<128x8192xi32>
    %slice3A_59 = vector.extract_strided_slice %add3A_58 {offsets = [0, 8184], sizes = [128, 8], strides = [1, 1]} : vector<128x8192xi32> to vector<128x8xi32>
    %slice3A_60 = vector.extract_strided_slice %add3A_58 {offsets = [0, 0], sizes = [128, 8184], strides = [1, 1]} : vector<128x8192xi32> to vector<128x8184xi32>
    %concatenate3A_61 = tpu.concatenate %slice3A_59, %slice3A_60 in 1 : vector<128x8xi32>, vector<128x8184xi32> -> vector<128x8192xi32>
    %ge3A_62 = arith.constant 8 : i32
    %ge3A_63 = vector.broadcast %ge3A_62 : i32 to vector<128x8192xi32>
    %ge3A_64 = arith.cmpi sge, %iota3A, %ge3A_63 : vector<128x8192xi32>
    %jit3A_65 = arith.constant 0 : i32
    %broadcast_in_dim3A_66 = vector.broadcast %jit3A_65 : i32 to vector<128x8192xi32>
    %select_n3A_67 = arith.select %ge3A_64, %concatenate3A_61, %broadcast_in_dim3A_66 : vector<128x8192xi1>, vector<128x8192xi32>
    %add3A_68 = arith.addi %add3A_58, %select_n3A_67 : vector<128x8192xi32>
    %slice3A_69 = vector.extract_strided_slice %add3A_68 {offsets = [0, 8176], sizes = [128, 16], strides = [1, 1]} : vector<128x8192xi32> to vector<128x16xi32>
    %slice3A_70 = vector.extract_strided_slice %add3A_68 {offsets = [0, 0], sizes = [128, 8176], strides = [1, 1]} : vector<128x8192xi32> to vector<128x8176xi32>
    %concatenate3A_71 = tpu.concatenate %slice3A_69, %slice3A_70 in 1 : vector<128x16xi32>, vector<128x8176xi32> -> vector<128x8192xi32>
    %ge3A_72 = arith.constant 16 : i32
    %ge3A_73 = vector.broadcast %ge3A_72 : i32 to vector<128x8192xi32>
    %ge3A_74 = arith.cmpi sge, %iota3A, %ge3A_73 : vector<128x8192xi32>
    %jit3A_75 = arith.constant 0 : i32
    %broadcast_in_dim3A_76 = vector.broadcast %jit3A_75 : i32 to vector<128x8192xi32>
    %select_n3A_77 = arith.select %ge3A_74, %concatenate3A_71, %broadcast_in_dim3A_76 : vector<128x8192xi1>, vector<128x8192xi32>
    %add3A_78 = arith.addi %add3A_68, %select_n3A_77 : vector<128x8192xi32>
    %slice3A_79 = vector.extract_strided_slice %add3A_78 {offsets = [0, 8160], sizes = [128, 32], strides = [1, 1]} : vector<128x8192xi32> to vector<128x32xi32>
    %slice3A_80 = vector.extract_strided_slice %add3A_78 {offsets = [0, 0], sizes = [128, 8160], strides = [1, 1]} : vector<128x8192xi32> to vector<128x8160xi32>
    %concatenate3A_81 = tpu.concatenate %slice3A_79, %slice3A_80 in 1 : vector<128x32xi32>, vector<128x8160xi32> -> vector<128x8192xi32>
    %ge3A_82 = arith.constant 32 : i32
    %ge3A_83 = vector.broadcast %ge3A_82 : i32 to vector<128x8192xi32>
    %ge3A_84 = arith.cmpi sge, %iota3A, %ge3A_83 : vector<128x8192xi32>
    %jit3A_85 = arith.constant 0 : i32
    %broadcast_in_dim3A_86 = vector.broadcast %jit3A_85 : i32 to vector<128x8192xi32>
    %select_n3A_87 = arith.select %ge3A_84, %concatenate3A_81, %broadcast_in_dim3A_86 : vector<128x8192xi1>, vector<128x8192xi32>
    %add3A_88 = arith.addi %add3A_78, %select_n3A_87 : vector<128x8192xi32>
    %slice3A_89 = vector.extract_strided_slice %add3A_88 {offsets = [0, 8128], sizes = [128, 64], strides = [1, 1]} : vector<128x8192xi32> to vector<128x64xi32>
    %slice3A_90 = vector.extract_strided_slice %add3A_88 {offsets = [0, 0], sizes = [128, 8128], strides = [1, 1]} : vector<128x8192xi32> to vector<128x8128xi32>
    %concatenate3A_91 = tpu.concatenate %slice3A_89, %slice3A_90 in 1 : vector<128x64xi32>, vector<128x8128xi32> -> vector<128x8192xi32>
    %ge3A_92 = arith.constant 64 : i32
    %ge3A_93 = vector.broadcast %ge3A_92 : i32 to vector<128x8192xi32>
    %ge3A_94 = arith.cmpi sge, %iota3A, %ge3A_93 : vector<128x8192xi32>
    %jit3A_95 = arith.constant 0 : i32
    %broadcast_in_dim3A_96 = vector.broadcast %jit3A_95 : i32 to vector<128x8192xi32>
    %select_n3A_97 = arith.select %ge3A_94, %concatenate3A_91, %broadcast_in_dim3A_96 : vector<128x8192xi1>, vector<128x8192xi32>
    %add3A_98 = arith.addi %add3A_88, %select_n3A_97 : vector<128x8192xi32>
    %slice3A_99 = vector.extract_strided_slice %add3A_98 {offsets = [0, 8064], sizes = [128, 128], strides = [1, 1]} : vector<128x8192xi32> to vector<128x128xi32>
    %slice3A_100 = vector.extract_strided_slice %add3A_98 {offsets = [0, 0], sizes = [128, 8064], strides = [1, 1]} : vector<128x8192xi32> to vector<128x8064xi32>
    %concatenate3A_101 = tpu.concatenate %slice3A_99, %slice3A_100 in 1 : vector<128x128xi32>, vector<128x8064xi32> -> vector<128x8192xi32>
    %ge3A_102 = arith.constant 128 : i32
    %ge3A_103 = vector.broadcast %ge3A_102 : i32 to vector<128x8192xi32>
    %ge3A_104 = arith.cmpi sge, %iota3A, %ge3A_103 : vector<128x8192xi32>
    %jit3A_105 = arith.constant 0 : i32
    %broadcast_in_dim3A_106 = vector.broadcast %jit3A_105 : i32 to vector<128x8192xi32>
    %select_n3A_107 = arith.select %ge3A_104, %concatenate3A_101, %broadcast_in_dim3A_106 : vector<128x8192xi1>, vector<128x8192xi32>
    %add3A_108 = arith.addi %add3A_98, %select_n3A_107 : vector<128x8192xi32>
    %slice3A_109 = vector.extract_strided_slice %add3A_108 {offsets = [0, 7936], sizes = [128, 256], strides = [1, 1]} : vector<128x8192xi32> to vector<128x256xi32>
    %slice3A_110 = vector.extract_strided_slice %add3A_108 {offsets = [0, 0], sizes = [128, 7936], strides = [1, 1]} : vector<128x8192xi32> to vector<128x7936xi32>
    %concatenate3A_111 = tpu.concatenate %slice3A_109, %slice3A_110 in 1 : vector<128x256xi32>, vector<128x7936xi32> -> vector<128x8192xi32>
    %ge3A_112 = arith.constant 256 : i32
    %ge3A_113 = vector.broadcast %ge3A_112 : i32 to vector<128x8192xi32>
    %ge3A_114 = arith.cmpi sge, %iota3A, %ge3A_113 : vector<128x8192xi32>
    %jit3A_115 = arith.constant 0 : i32
    %broadcast_in_dim3A_116 = vector.broadcast %jit3A_115 : i32 to vector<128x8192xi32>
    %select_n3A_117 = arith.select %ge3A_114, %concatenate3A_111, %broadcast_in_dim3A_116 : vector<128x8192xi1>, vector<128x8192xi32>
    %add3A_118 = arith.addi %add3A_108, %select_n3A_117 : vector<128x8192xi32>
    %slice3A_119 = vector.extract_strided_slice %add3A_118 {offsets = [0, 7680], sizes = [128, 512], strides = [1, 1]} : vector<128x8192xi32> to vector<128x512xi32>
    %slice3A_120 = vector.extract_strided_slice %add3A_118 {offsets = [0, 0], sizes = [128, 7680], strides = [1, 1]} : vector<128x8192xi32> to vector<128x7680xi32>
    %concatenate3A_121 = tpu.concatenate %slice3A_119, %slice3A_120 in 1 : vector<128x512xi32>, vector<128x7680xi32> -> vector<128x8192xi32>
    %ge3A_122 = arith.constant 512 : i32
    %ge3A_123 = vector.broadcast %ge3A_122 : i32 to vector<128x8192xi32>
    %ge3A_124 = arith.cmpi sge, %iota3A, %ge3A_123 : vector<128x8192xi32>
    %jit3A_125 = arith.constant 0 : i32
    %broadcast_in_dim3A_126 = vector.broadcast %jit3A_125 : i32 to vector<128x8192xi32>
    %select_n3A_127 = arith.select %ge3A_124, %concatenate3A_121, %broadcast_in_dim3A_126 : vector<128x8192xi1>, vector<128x8192xi32>
    %add3A_128 = arith.addi %add3A_118, %select_n3A_127 : vector<128x8192xi32>
    %slice3A_129 = vector.extract_strided_slice %add3A_128 {offsets = [0, 7168], sizes = [128, 1024], strides = [1, 1]} : vector<128x8192xi32> to vector<128x1024xi32>
    %slice3A_130 = vector.extract_strided_slice %add3A_128 {offsets = [0, 0], sizes = [128, 7168], strides = [1, 1]} : vector<128x8192xi32> to vector<128x7168xi32>
    %concatenate3A_131 = tpu.concatenate %slice3A_129, %slice3A_130 in 1 : vector<128x1024xi32>, vector<128x7168xi32> -> vector<128x8192xi32>
    %ge3A_132 = arith.constant 1024 : i32
    %ge3A_133 = vector.broadcast %ge3A_132 : i32 to vector<128x8192xi32>
    %ge3A_134 = arith.cmpi sge, %iota3A, %ge3A_133 : vector<128x8192xi32>
    %jit3A_135 = arith.constant 0 : i32
    %broadcast_in_dim3A_136 = vector.broadcast %jit3A_135 : i32 to vector<128x8192xi32>
    %select_n3A_137 = arith.select %ge3A_134, %concatenate3A_131, %broadcast_in_dim3A_136 : vector<128x8192xi1>, vector<128x8192xi32>
    %add3A_138 = arith.addi %add3A_128, %select_n3A_137 : vector<128x8192xi32>
    %slice3A_139 = vector.extract_strided_slice %add3A_138 {offsets = [0, 6144], sizes = [128, 2048], strides = [1, 1]} : vector<128x8192xi32> to vector<128x2048xi32>
    %slice3A_140 = vector.extract_strided_slice %add3A_138 {offsets = [0, 0], sizes = [128, 6144], strides = [1, 1]} : vector<128x8192xi32> to vector<128x6144xi32>
    %concatenate3A_141 = tpu.concatenate %slice3A_139, %slice3A_140 in 1 : vector<128x2048xi32>, vector<128x6144xi32> -> vector<128x8192xi32>
    %ge3A_142 = arith.constant 2048 : i32
    %ge3A_143 = vector.broadcast %ge3A_142 : i32 to vector<128x8192xi32>
    %ge3A_144 = arith.cmpi sge, %iota3A, %ge3A_143 : vector<128x8192xi32>
    %jit3A_145 = arith.constant 0 : i32
    %broadcast_in_dim3A_146 = vector.broadcast %jit3A_145 : i32 to vector<128x8192xi32>
    %select_n3A_147 = arith.select %ge3A_144, %concatenate3A_141, %broadcast_in_dim3A_146 : vector<128x8192xi1>, vector<128x8192xi32>
    %add3A_148 = arith.addi %add3A_138, %select_n3A_147 : vector<128x8192xi32>
    %slice3A_149 = vector.extract_strided_slice %add3A_148 {offsets = [0, 4096], sizes = [128, 4096], strides = [1, 1]} : vector<128x8192xi32> to vector<128x4096xi32>
    %slice3A_150 = vector.extract_strided_slice %add3A_148 {offsets = [0, 0], sizes = [128, 4096], strides = [1, 1]} : vector<128x8192xi32> to vector<128x4096xi32>
    %concatenate3A_151 = tpu.concatenate %slice3A_149, %slice3A_150 in 1 : vector<128x4096xi32>, vector<128x4096xi32> -> vector<128x8192xi32>
    %ge3A_152 = arith.constant 4096 : i32
    %ge3A_153 = vector.broadcast %ge3A_152 : i32 to vector<128x8192xi32>
    %ge3A_154 = arith.cmpi sge, %iota3A, %ge3A_153 : vector<128x8192xi32>
    %jit3A_155 = arith.constant 0 : i32
    %broadcast_in_dim3A_156 = vector.broadcast %jit3A_155 : i32 to vector<128x8192xi32>
    %select_n3A_157 = arith.select %ge3A_154, %concatenate3A_151, %broadcast_in_dim3A_156 : vector<128x8192xi1>, vector<128x8192xi32>
    %add3A_158 = arith.addi %add3A_148, %select_n3A_157 : vector<128x8192xi32>
    %le3A = arith.constant 0 : i32
    %le3A_159 = vector.broadcast %le3A : i32 to vector<128x8192xi32>
    %le3A_160 = arith.cmpi sle, %add3A_158, %le3A_159 : vector<128x8192xi32>
    %convert_element_type3A_161 = arith.extui %le3A_160 : vector<128x8192xi1> to vector<128x8192xi32>
    %reduce_sum3A = arith.constant dense<0> : vector<128xi32>
    %reduce_sum3A_162 = vector.multi_reduction <add>, %convert_element_type3A_161, %reduce_sum3A [1] : vector<128x8192xi32> to vector<128xi32>
    %broadcast_in_dim3A_163 = vector.shape_cast %reduce_sum3A_162 : vector<128xi32> to vector<128x1xi32>
    %ge3A_164 = arith.constant 8192 : i32
    %ge3A_165 = vector.broadcast %ge3A_164 : i32 to vector<128x1xi32>
    %ge3A_166 = arith.cmpi sge, %broadcast_in_dim3A_163, %ge3A_165 : vector<128x1xi32>
    %jit3A_167 = arith.constant 0 : i32
    %broadcast_in_dim3A_168 = vector.broadcast %jit3A_167 : i32 to vector<128x1xi32>
    %select_n3A_169 = arith.select %ge3A_166, %broadcast_in_dim3A_168, %broadcast_in_dim3A_163 : vector<128x1xi1>, vector<128x1xi32>
    %le3A_170 = arith.constant 1 : i32
    %le3A_171 = vector.broadcast %le3A_170 : i32 to vector<128x8192xi32>
    %le3A_172 = arith.cmpi sle, %add3A_158, %le3A_171 : vector<128x8192xi32>
    %convert_element_type3A_173 = arith.extui %le3A_172 : vector<128x8192xi1> to vector<128x8192xi32>
    %reduce_sum3A_174 = arith.constant dense<0> : vector<128xi32>
    %reduce_sum3A_175 = vector.multi_reduction <add>, %convert_element_type3A_173, %reduce_sum3A_174 [1] : vector<128x8192xi32> to vector<128xi32>
    %broadcast_in_dim3A_176 = vector.shape_cast %reduce_sum3A_175 : vector<128xi32> to vector<128x1xi32>
    %ge3A_177 = arith.constant 8192 : i32
    %ge3A_178 = vector.broadcast %ge3A_177 : i32 to vector<128x1xi32>
    %ge3A_179 = arith.cmpi sge, %broadcast_in_dim3A_176, %ge3A_178 : vector<128x1xi32>
    %select_n3A_180 = arith.select %ge3A_179, %select_n3A_169, %broadcast_in_dim3A_176 : vector<128x1xi1>, vector<128x1xi32>
    %le3A_181 = arith.constant 2 : i32
    %le3A_182 = vector.broadcast %le3A_181 : i32 to vector<128x8192xi32>
    %le3A_183 = arith.cmpi sle, %add3A_158, %le3A_182 : vector<128x8192xi32>
    %convert_element_type3A_184 = arith.extui %le3A_183 : vector<128x8192xi1> to vector<128x8192xi32>
    %reduce_sum3A_185 = arith.constant dense<0> : vector<128xi32>
    %reduce_sum3A_186 = vector.multi_reduction <add>, %convert_element_type3A_184, %reduce_sum3A_185 [1] : vector<128x8192xi32> to vector<128xi32>
    %broadcast_in_dim3A_187 = vector.shape_cast %reduce_sum3A_186 : vector<128xi32> to vector<128x1xi32>
    %ge3A_188 = arith.constant 8192 : i32
    %ge3A_189 = vector.broadcast %ge3A_188 : i32 to vector<128x1xi32>
    %ge3A_190 = arith.cmpi sge, %broadcast_in_dim3A_187, %ge3A_189 : vector<128x1xi32>
    %select_n3A_191 = arith.select %ge3A_190, %select_n3A_169, %broadcast_in_dim3A_187 : vector<128x1xi1>, vector<128x1xi32>
    %le3A_192 = arith.constant 3 : i32
    %le3A_193 = vector.broadcast %le3A_192 : i32 to vector<128x8192xi32>
    %le3A_194 = arith.cmpi sle, %add3A_158, %le3A_193 : vector<128x8192xi32>
    %convert_element_type3A_195 = arith.extui %le3A_194 : vector<128x8192xi1> to vector<128x8192xi32>
    %reduce_sum3A_196 = arith.constant dense<0> : vector<128xi32>
    %reduce_sum3A_197 = vector.multi_reduction <add>, %convert_element_type3A_195, %reduce_sum3A_196 [1] : vector<128x8192xi32> to vector<128xi32>
    %broadcast_in_dim3A_198 = vector.shape_cast %reduce_sum3A_197 : vector<128xi32> to vector<128x1xi32>
    %ge3A_199 = arith.constant 8192 : i32
    %ge3A_200 = vector.broadcast %ge3A_199 : i32 to vector<128x1xi32>
    %ge3A_201 = arith.cmpi sge, %broadcast_in_dim3A_198, %ge3A_200 : vector<128x1xi32>
    %select_n3A_202 = arith.select %ge3A_201, %select_n3A_169, %broadcast_in_dim3A_198 : vector<128x1xi1>, vector<128x1xi32>
    %le3A_203 = arith.constant 4 : i32
    %le3A_204 = vector.broadcast %le3A_203 : i32 to vector<128x8192xi32>
    %le3A_205 = arith.cmpi sle, %add3A_158, %le3A_204 : vector<128x8192xi32>
    %convert_element_type3A_206 = arith.extui %le3A_205 : vector<128x8192xi1> to vector<128x8192xi32>
    %reduce_sum3A_207 = arith.constant dense<0> : vector<128xi32>
    %reduce_sum3A_208 = vector.multi_reduction <add>, %convert_element_type3A_206, %reduce_sum3A_207 [1] : vector<128x8192xi32> to vector<128xi32>
    %broadcast_in_dim3A_209 = vector.shape_cast %reduce_sum3A_208 : vector<128xi32> to vector<128x1xi32>
    %ge3A_210 = arith.constant 8192 : i32
    %ge3A_211 = vector.broadcast %ge3A_210 : i32 to vector<128x1xi32>
    %ge3A_212 = arith.cmpi sge, %broadcast_in_dim3A_209, %ge3A_211 : vector<128x1xi32>
    %select_n3A_213 = arith.select %ge3A_212, %select_n3A_169, %broadcast_in_dim3A_209 : vector<128x1xi1>, vector<128x1xi32>
    %le3A_214 = arith.constant 5 : i32
    %le3A_215 = vector.broadcast %le3A_214 : i32 to vector<128x8192xi32>
    %le3A_216 = arith.cmpi sle, %add3A_158, %le3A_215 : vector<128x8192xi32>
    %convert_element_type3A_217 = arith.extui %le3A_216 : vector<128x8192xi1> to vector<128x8192xi32>
    %reduce_sum3A_218 = arith.constant dense<0> : vector<128xi32>
    %reduce_sum3A_219 = vector.multi_reduction <add>, %convert_element_type3A_217, %reduce_sum3A_218 [1] : vector<128x8192xi32> to vector<128xi32>
    %broadcast_in_dim3A_220 = vector.shape_cast %reduce_sum3A_219 : vector<128xi32> to vector<128x1xi32>
    %ge3A_221 = arith.constant 8192 : i32
    %ge3A_222 = vector.broadcast %ge3A_221 : i32 to vector<128x1xi32>
    %ge3A_223 = arith.cmpi sge, %broadcast_in_dim3A_220, %ge3A_222 : vector<128x1xi32>
    %select_n3A_224 = arith.select %ge3A_223, %select_n3A_169, %broadcast_in_dim3A_220 : vector<128x1xi1>, vector<128x1xi32>
    %le3A_225 = arith.constant 6 : i32
    %le3A_226 = vector.broadcast %le3A_225 : i32 to vector<128x8192xi32>
    %le3A_227 = arith.cmpi sle, %add3A_158, %le3A_226 : vector<128x8192xi32>
    %convert_element_type3A_228 = arith.extui %le3A_227 : vector<128x8192xi1> to vector<128x8192xi32>
    %reduce_sum3A_229 = arith.constant dense<0> : vector<128xi32>
    %reduce_sum3A_230 = vector.multi_reduction <add>, %convert_element_type3A_228, %reduce_sum3A_229 [1] : vector<128x8192xi32> to vector<128xi32>
    %broadcast_in_dim3A_231 = vector.shape_cast %reduce_sum3A_230 : vector<128xi32> to vector<128x1xi32>
    %ge3A_232 = arith.constant 8192 : i32
    %ge3A_233 = vector.broadcast %ge3A_232 : i32 to vector<128x1xi32>
    %ge3A_234 = arith.cmpi sge, %broadcast_in_dim3A_231, %ge3A_233 : vector<128x1xi32>
    %select_n3A_235 = arith.select %ge3A_234, %select_n3A_169, %broadcast_in_dim3A_231 : vector<128x1xi1>, vector<128x1xi32>
    %le3A_236 = arith.constant 7 : i32
    %le3A_237 = vector.broadcast %le3A_236 : i32 to vector<128x8192xi32>
    %le3A_238 = arith.cmpi sle, %add3A_158, %le3A_237 : vector<128x8192xi32>
    %convert_element_type3A_239 = arith.extui %le3A_238 : vector<128x8192xi1> to vector<128x8192xi32>
    %reduce_sum3A_240 = arith.constant dense<0> : vector<128xi32>
    %reduce_sum3A_241 = vector.multi_reduction <add>, %convert_element_type3A_239, %reduce_sum3A_240 [1] : vector<128x8192xi32> to vector<128xi32>
    %broadcast_in_dim3A_242 = vector.shape_cast %reduce_sum3A_241 : vector<128xi32> to vector<128x1xi32>
    %ge3A_243 = arith.constant 8192 : i32
    %ge3A_244 = vector.broadcast %ge3A_243 : i32 to vector<128x1xi32>
    %ge3A_245 = arith.cmpi sge, %broadcast_in_dim3A_242, %ge3A_244 : vector<128x1xi32>
    %select_n3A_246 = arith.select %ge3A_245, %select_n3A_169, %broadcast_in_dim3A_242 : vector<128x1xi1>, vector<128x1xi32>
    %le3A_247 = arith.constant 8 : i32
    %le3A_248 = vector.broadcast %le3A_247 : i32 to vector<128x8192xi32>
    %le3A_249 = arith.cmpi sle, %add3A_158, %le3A_248 : vector<128x8192xi32>
    %convert_element_type3A_250 = arith.extui %le3A_249 : vector<128x8192xi1> to vector<128x8192xi32>
    %reduce_sum3A_251 = arith.constant dense<0> : vector<128xi32>
    %reduce_sum3A_252 = vector.multi_reduction <add>, %convert_element_type3A_250, %reduce_sum3A_251 [1] : vector<128x8192xi32> to vector<128xi32>
    %broadcast_in_dim3A_253 = vector.shape_cast %reduce_sum3A_252 : vector<128xi32> to vector<128x1xi32>
    %ge3A_254 = arith.constant 8192 : i32
    %ge3A_255 = vector.broadcast %ge3A_254 : i32 to vector<128x1xi32>
    %ge3A_256 = arith.cmpi sge, %broadcast_in_dim3A_253, %ge3A_255 : vector<128x1xi32>
    %select_n3A_257 = arith.select %ge3A_256, %select_n3A_169, %broadcast_in_dim3A_253 : vector<128x1xi1>, vector<128x1xi32>
    %le3A_258 = arith.constant 9 : i32
    %le3A_259 = vector.broadcast %le3A_258 : i32 to vector<128x8192xi32>
    %le3A_260 = arith.cmpi sle, %add3A_158, %le3A_259 : vector<128x8192xi32>
    %convert_element_type3A_261 = arith.extui %le3A_260 : vector<128x8192xi1> to vector<128x8192xi32>
    %reduce_sum3A_262 = arith.constant dense<0> : vector<128xi32>
    %reduce_sum3A_263 = vector.multi_reduction <add>, %convert_element_type3A_261, %reduce_sum3A_262 [1] : vector<128x8192xi32> to vector<128xi32>
    %broadcast_in_dim3A_264 = vector.shape_cast %reduce_sum3A_263 : vector<128xi32> to vector<128x1xi32>
    %ge3A_265 = arith.constant 8192 : i32
    %ge3A_266 = vector.broadcast %ge3A_265 : i32 to vector<128x1xi32>
    %ge3A_267 = arith.cmpi sge, %broadcast_in_dim3A_264, %ge3A_266 : vector<128x1xi32>
    %select_n3A_268 = arith.select %ge3A_267, %select_n3A_169, %broadcast_in_dim3A_264 : vector<128x1xi1>, vector<128x1xi32>
    %le3A_269 = arith.constant 10 : i32
    %le3A_270 = vector.broadcast %le3A_269 : i32 to vector<128x8192xi32>
    %le3A_271 = arith.cmpi sle, %add3A_158, %le3A_270 : vector<128x8192xi32>
    %convert_element_type3A_272 = arith.extui %le3A_271 : vector<128x8192xi1> to vector<128x8192xi32>
    %reduce_sum3A_273 = arith.constant dense<0> : vector<128xi32>
    %reduce_sum3A_274 = vector.multi_reduction <add>, %convert_element_type3A_272, %reduce_sum3A_273 [1] : vector<128x8192xi32> to vector<128xi32>
    %broadcast_in_dim3A_275 = vector.shape_cast %reduce_sum3A_274 : vector<128xi32> to vector<128x1xi32>
    %ge3A_276 = arith.constant 8192 : i32
    %ge3A_277 = vector.broadcast %ge3A_276 : i32 to vector<128x1xi32>
    %ge3A_278 = arith.cmpi sge, %broadcast_in_dim3A_275, %ge3A_277 : vector<128x1xi32>
    %select_n3A_279 = arith.select %ge3A_278, %select_n3A_169, %broadcast_in_dim3A_275 : vector<128x1xi1>, vector<128x1xi32>
    %le3A_280 = arith.constant 11 : i32
    %le3A_281 = vector.broadcast %le3A_280 : i32 to vector<128x8192xi32>
    %le3A_282 = arith.cmpi sle, %add3A_158, %le3A_281 : vector<128x8192xi32>
    %convert_element_type3A_283 = arith.extui %le3A_282 : vector<128x8192xi1> to vector<128x8192xi32>
    %reduce_sum3A_284 = arith.constant dense<0> : vector<128xi32>
    %reduce_sum3A_285 = vector.multi_reduction <add>, %convert_element_type3A_283, %reduce_sum3A_284 [1] : vector<128x8192xi32> to vector<128xi32>
    %broadcast_in_dim3A_286 = vector.shape_cast %reduce_sum3A_285 : vector<128xi32> to vector<128x1xi32>
    %ge3A_287 = arith.constant 8192 : i32
    %ge3A_288 = vector.broadcast %ge3A_287 : i32 to vector<128x1xi32>
    %ge3A_289 = arith.cmpi sge, %broadcast_in_dim3A_286, %ge3A_288 : vector<128x1xi32>
    %select_n3A_290 = arith.select %ge3A_289, %select_n3A_169, %broadcast_in_dim3A_286 : vector<128x1xi1>, vector<128x1xi32>
    %le3A_291 = arith.constant 12 : i32
    %le3A_292 = vector.broadcast %le3A_291 : i32 to vector<128x8192xi32>
    %le3A_293 = arith.cmpi sle, %add3A_158, %le3A_292 : vector<128x8192xi32>
    %convert_element_type3A_294 = arith.extui %le3A_293 : vector<128x8192xi1> to vector<128x8192xi32>
    %reduce_sum3A_295 = arith.constant dense<0> : vector<128xi32>
    %reduce_sum3A_296 = vector.multi_reduction <add>, %convert_element_type3A_294, %reduce_sum3A_295 [1] : vector<128x8192xi32> to vector<128xi32>
    %broadcast_in_dim3A_297 = vector.shape_cast %reduce_sum3A_296 : vector<128xi32> to vector<128x1xi32>
    %ge3A_298 = arith.constant 8192 : i32
    %ge3A_299 = vector.broadcast %ge3A_298 : i32 to vector<128x1xi32>
    %ge3A_300 = arith.cmpi sge, %broadcast_in_dim3A_297, %ge3A_299 : vector<128x1xi32>
    %select_n3A_301 = arith.select %ge3A_300, %select_n3A_169, %broadcast_in_dim3A_297 : vector<128x1xi1>, vector<128x1xi32>
    %le3A_302 = arith.constant 13 : i32
    %le3A_303 = vector.broadcast %le3A_302 : i32 to vector<128x8192xi32>
    %le3A_304 = arith.cmpi sle, %add3A_158, %le3A_303 : vector<128x8192xi32>
    %convert_element_type3A_305 = arith.extui %le3A_304 : vector<128x8192xi1> to vector<128x8192xi32>
    %reduce_sum3A_306 = arith.constant dense<0> : vector<128xi32>
    %reduce_sum3A_307 = vector.multi_reduction <add>, %convert_element_type3A_305, %reduce_sum3A_306 [1] : vector<128x8192xi32> to vector<128xi32>
    %broadcast_in_dim3A_308 = vector.shape_cast %reduce_sum3A_307 : vector<128xi32> to vector<128x1xi32>
    %ge3A_309 = arith.constant 8192 : i32
    %ge3A_310 = vector.broadcast %ge3A_309 : i32 to vector<128x1xi32>
    %ge3A_311 = arith.cmpi sge, %broadcast_in_dim3A_308, %ge3A_310 : vector<128x1xi32>
    %select_n3A_312 = arith.select %ge3A_311, %select_n3A_169, %broadcast_in_dim3A_308 : vector<128x1xi1>, vector<128x1xi32>
    %le3A_313 = arith.constant 14 : i32
    %le3A_314 = vector.broadcast %le3A_313 : i32 to vector<128x8192xi32>
    %le3A_315 = arith.cmpi sle, %add3A_158, %le3A_314 : vector<128x8192xi32>
    %convert_element_type3A_316 = arith.extui %le3A_315 : vector<128x8192xi1> to vector<128x8192xi32>
    %reduce_sum3A_317 = arith.constant dense<0> : vector<128xi32>
    %reduce_sum3A_318 = vector.multi_reduction <add>, %convert_element_type3A_316, %reduce_sum3A_317 [1] : vector<128x8192xi32> to vector<128xi32>
    %broadcast_in_dim3A_319 = vector.shape_cast %reduce_sum3A_318 : vector<128xi32> to vector<128x1xi32>
    %ge3A_320 = arith.constant 8192 : i32
    %ge3A_321 = vector.broadcast %ge3A_320 : i32 to vector<128x1xi32>
    %ge3A_322 = arith.cmpi sge, %broadcast_in_dim3A_319, %ge3A_321 : vector<128x1xi32>
    %select_n3A_323 = arith.select %ge3A_322, %select_n3A_169, %broadcast_in_dim3A_319 : vector<128x1xi1>, vector<128x1xi32>
    %le3A_324 = arith.constant 15 : i32
    %le3A_325 = vector.broadcast %le3A_324 : i32 to vector<128x8192xi32>
    %le3A_326 = arith.cmpi sle, %add3A_158, %le3A_325 : vector<128x8192xi32>
    %convert_element_type3A_327 = arith.extui %le3A_326 : vector<128x8192xi1> to vector<128x8192xi32>
    %reduce_sum3A_328 = arith.constant dense<0> : vector<128xi32>
    %reduce_sum3A_329 = vector.multi_reduction <add>, %convert_element_type3A_327, %reduce_sum3A_328 [1] : vector<128x8192xi32> to vector<128xi32>
    %broadcast_in_dim3A_330 = vector.shape_cast %reduce_sum3A_329 : vector<128xi32> to vector<128x1xi32>
    %ge3A_331 = arith.constant 8192 : i32
    %ge3A_332 = vector.broadcast %ge3A_331 : i32 to vector<128x1xi32>
    %ge3A_333 = arith.cmpi sge, %broadcast_in_dim3A_330, %ge3A_332 : vector<128x1xi32>
    %select_n3A_334 = arith.select %ge3A_333, %select_n3A_169, %broadcast_in_dim3A_330 : vector<128x1xi1>, vector<128x1xi32>
    %le3A_335 = arith.constant 16 : i32
    %le3A_336 = vector.broadcast %le3A_335 : i32 to vector<128x8192xi32>
    %le3A_337 = arith.cmpi sle, %add3A_158, %le3A_336 : vector<128x8192xi32>
    %convert_element_type3A_338 = arith.extui %le3A_337 : vector<128x8192xi1> to vector<128x8192xi32>
    %reduce_sum3A_339 = arith.constant dense<0> : vector<128xi32>
    %reduce_sum3A_340 = vector.multi_reduction <add>, %convert_element_type3A_338, %reduce_sum3A_339 [1] : vector<128x8192xi32> to vector<128xi32>
    %broadcast_in_dim3A_341 = vector.shape_cast %reduce_sum3A_340 : vector<128xi32> to vector<128x1xi32>
    %ge3A_342 = arith.constant 8192 : i32
    %ge3A_343 = vector.broadcast %ge3A_342 : i32 to vector<128x1xi32>
    %ge3A_344 = arith.cmpi sge, %broadcast_in_dim3A_341, %ge3A_343 : vector<128x1xi32>
    %select_n3A_345 = arith.select %ge3A_344, %select_n3A_169, %broadcast_in_dim3A_341 : vector<128x1xi1>, vector<128x1xi32>
    %le3A_346 = arith.constant 17 : i32
    %le3A_347 = vector.broadcast %le3A_346 : i32 to vector<128x8192xi32>
    %le3A_348 = arith.cmpi sle, %add3A_158, %le3A_347 : vector<128x8192xi32>
    %convert_element_type3A_349 = arith.extui %le3A_348 : vector<128x8192xi1> to vector<128x8192xi32>
    %reduce_sum3A_350 = arith.constant dense<0> : vector<128xi32>
    %reduce_sum3A_351 = vector.multi_reduction <add>, %convert_element_type3A_349, %reduce_sum3A_350 [1] : vector<128x8192xi32> to vector<128xi32>
    %broadcast_in_dim3A_352 = vector.shape_cast %reduce_sum3A_351 : vector<128xi32> to vector<128x1xi32>
    %ge3A_353 = arith.constant 8192 : i32
    %ge3A_354 = vector.broadcast %ge3A_353 : i32 to vector<128x1xi32>
    %ge3A_355 = arith.cmpi sge, %broadcast_in_dim3A_352, %ge3A_354 : vector<128x1xi32>
    %select_n3A_356 = arith.select %ge3A_355, %select_n3A_169, %broadcast_in_dim3A_352 : vector<128x1xi1>, vector<128x1xi32>
    %le3A_357 = arith.constant 18 : i32
    %le3A_358 = vector.broadcast %le3A_357 : i32 to vector<128x8192xi32>
    %le3A_359 = arith.cmpi sle, %add3A_158, %le3A_358 : vector<128x8192xi32>
    %convert_element_type3A_360 = arith.extui %le3A_359 : vector<128x8192xi1> to vector<128x8192xi32>
    %reduce_sum3A_361 = arith.constant dense<0> : vector<128xi32>
    %reduce_sum3A_362 = vector.multi_reduction <add>, %convert_element_type3A_360, %reduce_sum3A_361 [1] : vector<128x8192xi32> to vector<128xi32>
    %broadcast_in_dim3A_363 = vector.shape_cast %reduce_sum3A_362 : vector<128xi32> to vector<128x1xi32>
    %ge3A_364 = arith.constant 8192 : i32
    %ge3A_365 = vector.broadcast %ge3A_364 : i32 to vector<128x1xi32>
    %ge3A_366 = arith.cmpi sge, %broadcast_in_dim3A_363, %ge3A_365 : vector<128x1xi32>
    %select_n3A_367 = arith.select %ge3A_366, %select_n3A_169, %broadcast_in_dim3A_363 : vector<128x1xi1>, vector<128x1xi32>
    %le3A_368 = arith.constant 19 : i32
    %le3A_369 = vector.broadcast %le3A_368 : i32 to vector<128x8192xi32>
    %le3A_370 = arith.cmpi sle, %add3A_158, %le3A_369 : vector<128x8192xi32>
    %convert_element_type3A_371 = arith.extui %le3A_370 : vector<128x8192xi1> to vector<128x8192xi32>
    %reduce_sum3A_372 = arith.constant dense<0> : vector<128xi32>
    %reduce_sum3A_373 = vector.multi_reduction <add>, %convert_element_type3A_371, %reduce_sum3A_372 [1] : vector<128x8192xi32> to vector<128xi32>
    %broadcast_in_dim3A_374 = vector.shape_cast %reduce_sum3A_373 : vector<128xi32> to vector<128x1xi32>
    %ge3A_375 = arith.constant 8192 : i32
    %ge3A_376 = vector.broadcast %ge3A_375 : i32 to vector<128x1xi32>
    %ge3A_377 = arith.cmpi sge, %broadcast_in_dim3A_374, %ge3A_376 : vector<128x1xi32>
    %select_n3A_378 = arith.select %ge3A_377, %select_n3A_169, %broadcast_in_dim3A_374 : vector<128x1xi1>, vector<128x1xi32>
    %le3A_379 = arith.constant 20 : i32
    %le3A_380 = vector.broadcast %le3A_379 : i32 to vector<128x8192xi32>
    %le3A_381 = arith.cmpi sle, %add3A_158, %le3A_380 : vector<128x8192xi32>
    %convert_element_type3A_382 = arith.extui %le3A_381 : vector<128x8192xi1> to vector<128x8192xi32>
    %reduce_sum3A_383 = arith.constant dense<0> : vector<128xi32>
    %reduce_sum3A_384 = vector.multi_reduction <add>, %convert_element_type3A_382, %reduce_sum3A_383 [1] : vector<128x8192xi32> to vector<128xi32>
    %broadcast_in_dim3A_385 = vector.shape_cast %reduce_sum3A_384 : vector<128xi32> to vector<128x1xi32>
    %ge3A_386 = arith.constant 8192 : i32
    %ge3A_387 = vector.broadcast %ge3A_386 : i32 to vector<128x1xi32>
    %ge3A_388 = arith.cmpi sge, %broadcast_in_dim3A_385, %ge3A_387 : vector<128x1xi32>
    %select_n3A_389 = arith.select %ge3A_388, %select_n3A_169, %broadcast_in_dim3A_385 : vector<128x1xi1>, vector<128x1xi32>
    %le3A_390 = arith.constant 21 : i32
    %le3A_391 = vector.broadcast %le3A_390 : i32 to vector<128x8192xi32>
    %le3A_392 = arith.cmpi sle, %add3A_158, %le3A_391 : vector<128x8192xi32>
    %convert_element_type3A_393 = arith.extui %le3A_392 : vector<128x8192xi1> to vector<128x8192xi32>
    %reduce_sum3A_394 = arith.constant dense<0> : vector<128xi32>
    %reduce_sum3A_395 = vector.multi_reduction <add>, %convert_element_type3A_393, %reduce_sum3A_394 [1] : vector<128x8192xi32> to vector<128xi32>
    %broadcast_in_dim3A_396 = vector.shape_cast %reduce_sum3A_395 : vector<128xi32> to vector<128x1xi32>
    %ge3A_397 = arith.constant 8192 : i32
    %ge3A_398 = vector.broadcast %ge3A_397 : i32 to vector<128x1xi32>
    %ge3A_399 = arith.cmpi sge, %broadcast_in_dim3A_396, %ge3A_398 : vector<128x1xi32>
    %select_n3A_400 = arith.select %ge3A_399, %select_n3A_169, %broadcast_in_dim3A_396 : vector<128x1xi1>, vector<128x1xi32>
    %le3A_401 = arith.constant 22 : i32
    %le3A_402 = vector.broadcast %le3A_401 : i32 to vector<128x8192xi32>
    %le3A_403 = arith.cmpi sle, %add3A_158, %le3A_402 : vector<128x8192xi32>
    %convert_element_type3A_404 = arith.extui %le3A_403 : vector<128x8192xi1> to vector<128x8192xi32>
    %reduce_sum3A_405 = arith.constant dense<0> : vector<128xi32>
    %reduce_sum3A_406 = vector.multi_reduction <add>, %convert_element_type3A_404, %reduce_sum3A_405 [1] : vector<128x8192xi32> to vector<128xi32>
    %broadcast_in_dim3A_407 = vector.shape_cast %reduce_sum3A_406 : vector<128xi32> to vector<128x1xi32>
    %ge3A_408 = arith.constant 8192 : i32
    %ge3A_409 = vector.broadcast %ge3A_408 : i32 to vector<128x1xi32>
    %ge3A_410 = arith.cmpi sge, %broadcast_in_dim3A_407, %ge3A_409 : vector<128x1xi32>
    %select_n3A_411 = arith.select %ge3A_410, %select_n3A_169, %broadcast_in_dim3A_407 : vector<128x1xi1>, vector<128x1xi32>
    %le3A_412 = arith.constant 23 : i32
    %le3A_413 = vector.broadcast %le3A_412 : i32 to vector<128x8192xi32>
    %le3A_414 = arith.cmpi sle, %add3A_158, %le3A_413 : vector<128x8192xi32>
    %convert_element_type3A_415 = arith.extui %le3A_414 : vector<128x8192xi1> to vector<128x8192xi32>
    %reduce_sum3A_416 = arith.constant dense<0> : vector<128xi32>
    %reduce_sum3A_417 = vector.multi_reduction <add>, %convert_element_type3A_415, %reduce_sum3A_416 [1] : vector<128x8192xi32> to vector<128xi32>
    %broadcast_in_dim3A_418 = vector.shape_cast %reduce_sum3A_417 : vector<128xi32> to vector<128x1xi32>
    %ge3A_419 = arith.constant 8192 : i32
    %ge3A_420 = vector.broadcast %ge3A_419 : i32 to vector<128x1xi32>
    %ge3A_421 = arith.cmpi sge, %broadcast_in_dim3A_418, %ge3A_420 : vector<128x1xi32>
    %select_n3A_422 = arith.select %ge3A_421, %select_n3A_169, %broadcast_in_dim3A_418 : vector<128x1xi1>, vector<128x1xi32>
    %le3A_423 = arith.constant 24 : i32
    %le3A_424 = vector.broadcast %le3A_423 : i32 to vector<128x8192xi32>
    %le3A_425 = arith.cmpi sle, %add3A_158, %le3A_424 : vector<128x8192xi32>
    %convert_element_type3A_426 = arith.extui %le3A_425 : vector<128x8192xi1> to vector<128x8192xi32>
    %reduce_sum3A_427 = arith.constant dense<0> : vector<128xi32>
    %reduce_sum3A_428 = vector.multi_reduction <add>, %convert_element_type3A_426, %reduce_sum3A_427 [1] : vector<128x8192xi32> to vector<128xi32>
    %broadcast_in_dim3A_429 = vector.shape_cast %reduce_sum3A_428 : vector<128xi32> to vector<128x1xi32>
    %ge3A_430 = arith.constant 8192 : i32
    %ge3A_431 = vector.broadcast %ge3A_430 : i32 to vector<128x1xi32>
    %ge3A_432 = arith.cmpi sge, %broadcast_in_dim3A_429, %ge3A_431 : vector<128x1xi32>
    %select_n3A_433 = arith.select %ge3A_432, %select_n3A_169, %broadcast_in_dim3A_429 : vector<128x1xi1>, vector<128x1xi32>
    %le3A_434 = arith.constant 25 : i32
    %le3A_435 = vector.broadcast %le3A_434 : i32 to vector<128x8192xi32>
    %le3A_436 = arith.cmpi sle, %add3A_158, %le3A_435 : vector<128x8192xi32>
    %convert_element_type3A_437 = arith.extui %le3A_436 : vector<128x8192xi1> to vector<128x8192xi32>
    %reduce_sum3A_438 = arith.constant dense<0> : vector<128xi32>
    %reduce_sum3A_439 = vector.multi_reduction <add>, %convert_element_type3A_437, %reduce_sum3A_438 [1] : vector<128x8192xi32> to vector<128xi32>
    %broadcast_in_dim3A_440 = vector.shape_cast %reduce_sum3A_439 : vector<128xi32> to vector<128x1xi32>
    %ge3A_441 = arith.constant 8192 : i32
    %ge3A_442 = vector.broadcast %ge3A_441 : i32 to vector<128x1xi32>
    %ge3A_443 = arith.cmpi sge, %broadcast_in_dim3A_440, %ge3A_442 : vector<128x1xi32>
    %select_n3A_444 = arith.select %ge3A_443, %select_n3A_169, %broadcast_in_dim3A_440 : vector<128x1xi1>, vector<128x1xi32>
    %le3A_445 = arith.constant 26 : i32
    %le3A_446 = vector.broadcast %le3A_445 : i32 to vector<128x8192xi32>
    %le3A_447 = arith.cmpi sle, %add3A_158, %le3A_446 : vector<128x8192xi32>
    %convert_element_type3A_448 = arith.extui %le3A_447 : vector<128x8192xi1> to vector<128x8192xi32>
    %reduce_sum3A_449 = arith.constant dense<0> : vector<128xi32>
    %reduce_sum3A_450 = vector.multi_reduction <add>, %convert_element_type3A_448, %reduce_sum3A_449 [1] : vector<128x8192xi32> to vector<128xi32>
    %broadcast_in_dim3A_451 = vector.shape_cast %reduce_sum3A_450 : vector<128xi32> to vector<128x1xi32>
    %ge3A_452 = arith.constant 8192 : i32
    %ge3A_453 = vector.broadcast %ge3A_452 : i32 to vector<128x1xi32>
    %ge3A_454 = arith.cmpi sge, %broadcast_in_dim3A_451, %ge3A_453 : vector<128x1xi32>
    %select_n3A_455 = arith.select %ge3A_454, %select_n3A_169, %broadcast_in_dim3A_451 : vector<128x1xi1>, vector<128x1xi32>
    %le3A_456 = arith.constant 27 : i32
    %le3A_457 = vector.broadcast %le3A_456 : i32 to vector<128x8192xi32>
    %le3A_458 = arith.cmpi sle, %add3A_158, %le3A_457 : vector<128x8192xi32>
    %convert_element_type3A_459 = arith.extui %le3A_458 : vector<128x8192xi1> to vector<128x8192xi32>
    %reduce_sum3A_460 = arith.constant dense<0> : vector<128xi32>
    %reduce_sum3A_461 = vector.multi_reduction <add>, %convert_element_type3A_459, %reduce_sum3A_460 [1] : vector<128x8192xi32> to vector<128xi32>
    %broadcast_in_dim3A_462 = vector.shape_cast %reduce_sum3A_461 : vector<128xi32> to vector<128x1xi32>
    %ge3A_463 = arith.constant 8192 : i32
    %ge3A_464 = vector.broadcast %ge3A_463 : i32 to vector<128x1xi32>
    %ge3A_465 = arith.cmpi sge, %broadcast_in_dim3A_462, %ge3A_464 : vector<128x1xi32>
    %select_n3A_466 = arith.select %ge3A_465, %select_n3A_169, %broadcast_in_dim3A_462 : vector<128x1xi1>, vector<128x1xi32>
    %le3A_467 = arith.constant 28 : i32
    %le3A_468 = vector.broadcast %le3A_467 : i32 to vector<128x8192xi32>
    %le3A_469 = arith.cmpi sle, %add3A_158, %le3A_468 : vector<128x8192xi32>
    %convert_element_type3A_470 = arith.extui %le3A_469 : vector<128x8192xi1> to vector<128x8192xi32>
    %reduce_sum3A_471 = arith.constant dense<0> : vector<128xi32>
    %reduce_sum3A_472 = vector.multi_reduction <add>, %convert_element_type3A_470, %reduce_sum3A_471 [1] : vector<128x8192xi32> to vector<128xi32>
    %broadcast_in_dim3A_473 = vector.shape_cast %reduce_sum3A_472 : vector<128xi32> to vector<128x1xi32>
    %ge3A_474 = arith.constant 8192 : i32
    %ge3A_475 = vector.broadcast %ge3A_474 : i32 to vector<128x1xi32>
    %ge3A_476 = arith.cmpi sge, %broadcast_in_dim3A_473, %ge3A_475 : vector<128x1xi32>
    %select_n3A_477 = arith.select %ge3A_476, %select_n3A_169, %broadcast_in_dim3A_473 : vector<128x1xi1>, vector<128x1xi32>
    %le3A_478 = arith.constant 29 : i32
    %le3A_479 = vector.broadcast %le3A_478 : i32 to vector<128x8192xi32>
    %le3A_480 = arith.cmpi sle, %add3A_158, %le3A_479 : vector<128x8192xi32>
    %convert_element_type3A_481 = arith.extui %le3A_480 : vector<128x8192xi1> to vector<128x8192xi32>
    %reduce_sum3A_482 = arith.constant dense<0> : vector<128xi32>
    %reduce_sum3A_483 = vector.multi_reduction <add>, %convert_element_type3A_481, %reduce_sum3A_482 [1] : vector<128x8192xi32> to vector<128xi32>
    %broadcast_in_dim3A_484 = vector.shape_cast %reduce_sum3A_483 : vector<128xi32> to vector<128x1xi32>
    %ge3A_485 = arith.constant 8192 : i32
    %ge3A_486 = vector.broadcast %ge3A_485 : i32 to vector<128x1xi32>
    %ge3A_487 = arith.cmpi sge, %broadcast_in_dim3A_484, %ge3A_486 : vector<128x1xi32>
    %select_n3A_488 = arith.select %ge3A_487, %select_n3A_169, %broadcast_in_dim3A_484 : vector<128x1xi1>, vector<128x1xi32>
    %le3A_489 = arith.constant 30 : i32
    %le3A_490 = vector.broadcast %le3A_489 : i32 to vector<128x8192xi32>
    %le3A_491 = arith.cmpi sle, %add3A_158, %le3A_490 : vector<128x8192xi32>
    %convert_element_type3A_492 = arith.extui %le3A_491 : vector<128x8192xi1> to vector<128x8192xi32>
    %reduce_sum3A_493 = arith.constant dense<0> : vector<128xi32>
    %reduce_sum3A_494 = vector.multi_reduction <add>, %convert_element_type3A_492, %reduce_sum3A_493 [1] : vector<128x8192xi32> to vector<128xi32>
    %broadcast_in_dim3A_495 = vector.shape_cast %reduce_sum3A_494 : vector<128xi32> to vector<128x1xi32>
    %ge3A_496 = arith.constant 8192 : i32
    %ge3A_497 = vector.broadcast %ge3A_496 : i32 to vector<128x1xi32>
    %ge3A_498 = arith.cmpi sge, %broadcast_in_dim3A_495, %ge3A_497 : vector<128x1xi32>
    %select_n3A_499 = arith.select %ge3A_498, %select_n3A_169, %broadcast_in_dim3A_495 : vector<128x1xi1>, vector<128x1xi32>
    %le3A_500 = arith.constant 31 : i32
    %le3A_501 = vector.broadcast %le3A_500 : i32 to vector<128x8192xi32>
    %le3A_502 = arith.cmpi sle, %add3A_158, %le3A_501 : vector<128x8192xi32>
    %convert_element_type3A_503 = arith.extui %le3A_502 : vector<128x8192xi1> to vector<128x8192xi32>
    %reduce_sum3A_504 = arith.constant dense<0> : vector<128xi32>
    %reduce_sum3A_505 = vector.multi_reduction <add>, %convert_element_type3A_503, %reduce_sum3A_504 [1] : vector<128x8192xi32> to vector<128xi32>
    %broadcast_in_dim3A_506 = vector.shape_cast %reduce_sum3A_505 : vector<128xi32> to vector<128x1xi32>
    %ge3A_507 = arith.constant 8192 : i32
    %ge3A_508 = vector.broadcast %ge3A_507 : i32 to vector<128x1xi32>
    %ge3A_509 = arith.cmpi sge, %broadcast_in_dim3A_506, %ge3A_508 : vector<128x1xi32>
    %select_n3A_510 = arith.select %ge3A_509, %select_n3A_169, %broadcast_in_dim3A_506 : vector<128x1xi1>, vector<128x1xi32>
    %concatenate3A_511 = tpu.concatenate %select_n3A_169, %select_n3A_180, %select_n3A_191, %select_n3A_202, %select_n3A_213, %select_n3A_224, %select_n3A_235, %select_n3A_246, %select_n3A_257, %select_n3A_268, %select_n3A_279, %select_n3A_290, %select_n3A_301, %select_n3A_312, %select_n3A_323, %select_n3A_334, %select_n3A_345, %select_n3A_356, %select_n3A_367, %select_n3A_378, %select_n3A_389, %select_n3A_400, %select_n3A_411, %select_n3A_422, %select_n3A_433, %select_n3A_444, %select_n3A_455, %select_n3A_466, %select_n3A_477, %select_n3A_488, %select_n3A_499, %select_n3A_510 in 1 : vector<128x1xi32>, vector<128x1xi32>, vector<128x1xi32>, vector<128x1xi32>, vector<128x1xi32>, vector<128x1xi32>, vector<128x1xi32>, vector<128x1xi32>, vector<128x1xi32>, vector<128x1xi32>, vector<128x1xi32>, vector<128x1xi32>, vector<128x1xi32>, vector<128x1xi32>, vector<128x1xi32>, vector<128x1xi32>, vector<128x1xi32>, vector<128x1xi32>, vector<128x1xi32>, vector<128x1xi32>, vector<128x1xi32>, vector<128x1xi32>, vector<128x1xi32>, vector<128x1xi32>, vector<128x1xi32>, vector<128x1xi32>, vector<128x1xi32>, vector<128x1xi32>, vector<128x1xi32>, vector<128x1xi32>, vector<128x1xi32>, vector<128x1xi32> -> vector<128x32xi32>
    %mul3A_512 = arith.constant 8192 : i32
    %mul3A_513 = arith.muli %arg0, %mul3A_512 : i32
    %add3A_514 = vector.broadcast %mul3A_513 : i32 to vector<128x32xi32>
    %add3A_515 = arith.addi %concatenate3A_511, %add3A_514 : vector<128x32xi32>
    %swap3A = arith.constant 0 : index
    %swap3A_516 = arith.constant 0 : index
    %swap3A_517 = arith.constant 0 : index
    %swap3A_518 = vector.load %arg4[%swap3A, %swap3A_516, %swap3A_517] : memref<1x128x32xi32, #tpu.memory_space<vmem>>, vector<1x128x32xi32>
    %swap3A_519 = vector.shape_cast %swap3A_518 : vector<1x128x32xi32> to vector<128x32xi32>
    %swap3A_520 = vector.shape_cast %add3A_515 : vector<128x32xi32> to vector<1x128x32xi32>
    tpu.vector_store %arg4[%swap3A, %swap3A_516, %swap3A_517], %swap3A_520 {strides = array<i32>} : memref<1x128x32xi32, #tpu.memory_space<vmem>>, vector<1x128x32xi32>,
    return
  }
  func.func @transform_0(%arg0: i32, %arg1: i32) -> (i32, i32, i32) {
    %c0_i32 = arith.constant 0 : i32
    %c0_i32_0 = arith.constant 0 : i32
    %c0_i32_1 = arith.constant 0 : i32
    return %arg0, %c0_i32, %c0_i32_0 : i32, i32, i32
  }
  func.func @transform_1(%arg0: i32, %arg1: i32) -> (i32, i32, i32) {
    %c0_i32 = arith.constant 0 : i32
    %c0_i32_0 = arith.constant 0 : i32
    return %arg0, %arg1, %c0_i32 : i32, i32, i32
  }
  func.func @transform_2(%arg0: i32, %arg1: i32) -> (i32, i32, i32) {
    %c0_i32 = arith.constant 0 : i32
    %c0_i32_0 = arith.constant 0 : i32
    return %arg0, %arg1, %c0_i32 : i32, i32, i32
  }
}

module attributes {stable_mosaic.version = 14 : i64} {
  func.func @_fps_kernel(%arg0: memref<2x24x1024xf32, #tpu.memory_space<vmem>>, %arg1: memref<2x8192x3xf32, #tpu.memory_space<vmem>>, %arg2: memref<2x2048x3xf32, #tpu.memory_space<vmem>>) attributes {dimension_semantics = [], scalar_prefetch = 0 : i64, scratch_operands = 0 : i64, tpu.core_type = #tpu.core_type<tc>} {
    %get3A = arith.constant 0 : index
    %get3A_0 = arith.constant 0 : index
    %get3A_1 = arith.constant 0 : index
    %get3A_2 = vector.load %arg0[%get3A, %get3A_0, %get3A_1] : memref<2x24x1024xf32, #tpu.memory_space<vmem>>, vector<1x8x1024xf32>
    %get3A_3 = vector.shape_cast %get3A_2 : vector<1x8x1024xf32> to vector<8x1024xf32>
    %get3A_4 = arith.constant 0 : index
    %get3A_5 = arith.constant 8 : index
    %get3A_6 = arith.constant 0 : index
    %get3A_7 = vector.load %arg0[%get3A_4, %get3A_5, %get3A_6] : memref<2x24x1024xf32, #tpu.memory_space<vmem>>, vector<1x8x1024xf32>
    %get3A_8 = vector.shape_cast %get3A_7 : vector<1x8x1024xf32> to vector<8x1024xf32>
    %get3A_9 = arith.constant 0 : index
    %get3A_10 = arith.constant 16 : index
    %get3A_11 = arith.constant 0 : index
    %get3A_12 = vector.load %arg0[%get3A_9, %get3A_10, %get3A_11] : memref<2x24x1024xf32, #tpu.memory_space<vmem>>, vector<1x8x1024xf32>
    %get3A_13 = vector.shape_cast %get3A_12 : vector<1x8x1024xf32> to vector<8x1024xf32>
    %get3A_14 = arith.constant 1 : index
    %get3A_15 = arith.constant 0 : index
    %get3A_16 = arith.constant 0 : index
    %get3A_17 = vector.load %arg0[%get3A_14, %get3A_15, %get3A_16] : memref<2x24x1024xf32, #tpu.memory_space<vmem>>, vector<1x8x1024xf32>
    %get3A_18 = vector.shape_cast %get3A_17 : vector<1x8x1024xf32> to vector<8x1024xf32>
    %get3A_19 = arith.constant 1 : index
    %get3A_20 = arith.constant 8 : index
    %get3A_21 = arith.constant 0 : index
    %get3A_22 = vector.load %arg0[%get3A_19, %get3A_20, %get3A_21] : memref<2x24x1024xf32, #tpu.memory_space<vmem>>, vector<1x8x1024xf32>
    %get3A_23 = vector.shape_cast %get3A_22 : vector<1x8x1024xf32> to vector<8x1024xf32>
    %get3A_24 = arith.constant 1 : index
    %get3A_25 = arith.constant 16 : index
    %get3A_26 = arith.constant 0 : index
    %get3A_27 = vector.load %arg0[%get3A_24, %get3A_25, %get3A_26] : memref<2x24x1024xf32, #tpu.memory_space<vmem>>, vector<1x8x1024xf32>
    %get3A_28 = vector.shape_cast %get3A_27 : vector<1x8x1024xf32> to vector<8x1024xf32>
    %iota3A = tpu.iota {dimensions = array<i32: 0>} : vector<8x1024xi32>
    %mul3A = arith.constant 1024 : i32
    %mul3A_29 = vector.broadcast %mul3A : i32 to vector<8x1024xi32>
    %mul3A_30 = arith.muli %iota3A, %mul3A_29 : vector<8x1024xi32>
    %iota3A_31 = tpu.iota {dimensions = array<i32: 1>} : vector<8x1024xi32>
    %add3A = arith.addi %mul3A_30, %iota3A_31 : vector<8x1024xi32>
    %broadcast_in_dim3A = arith.constant 1.000000e+10 : f32
    %broadcast_in_dim3A_32 = vector.broadcast %broadcast_in_dim3A : f32 to vector<8x1024xf32>
    %broadcast_in_dim3A_33 = arith.constant 1.000000e+10 : f32
    %broadcast_in_dim3A_34 = vector.broadcast %broadcast_in_dim3A_33 : f32 to vector<8x1024xf32>
    %scan3A = arith.constant 0 : i32
    %scan3A_35 = arith.constant 0 : i32
    %scan3A_36 = arith.constant 0 : i32
    %scan3A_37 = arith.constant 2048 : i32
    %scan3A_38 = arith.addi %scan3A_36, %scan3A_37 : i32
    %scan3A_39 = arith.constant 1 : i32
    %scan3A_40:4 = scf.for %scan3A_42 = %scan3A_36 to %scan3A_38 step %scan3A_39 iter_args(%scan3A_43 = %scan3A, %scan3A_44 = %broadcast_in_dim3A_32, %scan3A_45 = %scan3A_35, %scan3A_46 = %broadcast_in_dim3A_34) -> (i32, vector<8x1024xf32>, i32, vector<8x1024xf32>)  : i32 {
      %get3A_47 = arith.constant 0 : index
      %get3A_48 = arith.index_cast %scan3A_43 : i32 to index
      %get3A_49 = arith.constant 0 : index
      %get3A_50 = vector.load %arg1[%get3A_47, %get3A_48, %get3A_49] : memref<2x8192x3xf32, #tpu.memory_space<vmem>>, vector<1x1x3xf32>
      %get3A_51 = vector.shape_cast %get3A_50 : vector<1x1x3xf32> to vector<1x3xf32>
      %swap3A = arith.constant 0 : index
      %swap3A_52 = arith.index_cast %scan3A_42 : i32 to index
      %swap3A_53 = arith.constant 0 : index
      %swap3A_54 = vector.load %arg2[%swap3A, %swap3A_52, %swap3A_53] : memref<2x2048x3xf32, #tpu.memory_space<vmem>>, vector<1x1x3xf32>
      %swap3A_55 = vector.shape_cast %swap3A_54 : vector<1x1x3xf32> to vector<1x3xf32>
      %swap3A_56 = vector.shape_cast %get3A_51 : vector<1x3xf32> to vector<1x1x3xf32>
      tpu.vector_store %arg2[%swap3A, %swap3A_52, %swap3A_53], %swap3A_56 {strides = array<i32>} : memref<2x2048x3xf32, #tpu.memory_space<vmem>>, vector<1x1x3xf32>,
      %slice3A = vector.extract_strided_slice %get3A_51 {offsets = [0, 0], sizes = [1, 1], strides = [1, 1]} : vector<1x3xf32> to vector<1x1xf32>
      %slice3A_57 = vector.extract_strided_slice %get3A_51 {offsets = [0, 1], sizes = [1, 1], strides = [1, 1]} : vector<1x3xf32> to vector<1x1xf32>
      %slice3A_58 = vector.extract_strided_slice %get3A_51 {offsets = [0, 2], sizes = [1, 1], strides = [1, 1]} : vector<1x3xf32> to vector<1x1xf32>
      %sub3A = vector.broadcast %slice3A : vector<1x1xf32> to vector<8x1024xf32>
      %sub3A_59 = arith.subf %get3A_3, %sub3A : vector<8x1024xf32>
      %sub3A_60 = vector.broadcast %slice3A_57 : vector<1x1xf32> to vector<8x1024xf32>
      %sub3A_61 = arith.subf %get3A_8, %sub3A_60 : vector<8x1024xf32>
      %sub3A_62 = vector.broadcast %slice3A_58 : vector<1x1xf32> to vector<8x1024xf32>
      %sub3A_63 = arith.subf %get3A_13, %sub3A_62 : vector<8x1024xf32>
      %mul3A_64 = arith.mulf %sub3A_59, %sub3A_59 : vector<8x1024xf32>
      %mul3A_65 = arith.mulf %sub3A_61, %sub3A_61 : vector<8x1024xf32>
      %add3A_66 = arith.addf %mul3A_64, %mul3A_65 : vector<8x1024xf32>
      %mul3A_67 = arith.mulf %sub3A_63, %sub3A_63 : vector<8x1024xf32>
      %add3A_68 = arith.addf %add3A_66, %mul3A_67 : vector<8x1024xf32>
      %min3A = arith.minimumf %scan3A_44, %add3A_68 : vector<8x1024xf32>
      %slice3A_69 = vector.extract_strided_slice %min3A {offsets = [0, 0], sizes = [8, 512], strides = [1, 1]} : vector<8x1024xf32> to vector<8x512xf32>
      %slice3A_70 = vector.extract_strided_slice %min3A {offsets = [0, 512], sizes = [8, 512], strides = [1, 1]} : vector<8x1024xf32> to vector<8x512xf32>
      %slice3A_71 = vector.extract_strided_slice %add3A {offsets = [0, 0], sizes = [8, 512], strides = [1, 1]} : vector<8x1024xi32> to vector<8x512xi32>
      %slice3A_72 = vector.extract_strided_slice %add3A {offsets = [0, 512], sizes = [8, 512], strides = [1, 1]} : vector<8x1024xi32> to vector<8x512xi32>
      %gt3A = arith.cmpf ogt, %slice3A_69, %slice3A_70 : vector<8x512xf32>
      %eq3A = arith.cmpf oeq, %slice3A_69, %slice3A_70 : vector<8x512xf32>
      %lt3A = arith.cmpi slt, %slice3A_71, %slice3A_72 : vector<8x512xi32>
      %and3A = arith.andi %eq3A, %lt3A : vector<8x512xi1>
      %or3A = arith.ori %gt3A, %and3A : vector<8x512xi1>
      %select_n3A = arith.select %or3A, %slice3A_69, %slice3A_70 : vector<8x512xi1>, vector<8x512xf32>
      %select_n3A_73 = arith.select %or3A, %slice3A_71, %slice3A_72 : vector<8x512xi1>, vector<8x512xi32>
      %slice3A_74 = vector.extract_strided_slice %select_n3A {offsets = [0, 0], sizes = [8, 256], strides = [1, 1]} : vector<8x512xf32> to vector<8x256xf32>
      %slice3A_75 = vector.extract_strided_slice %select_n3A {offsets = [0, 256], sizes = [8, 256], strides = [1, 1]} : vector<8x512xf32> to vector<8x256xf32>
      %slice3A_76 = vector.extract_strided_slice %select_n3A_73 {offsets = [0, 0], sizes = [8, 256], strides = [1, 1]} : vector<8x512xi32> to vector<8x256xi32>
      %slice3A_77 = vector.extract_strided_slice %select_n3A_73 {offsets = [0, 256], sizes = [8, 256], strides = [1, 1]} : vector<8x512xi32> to vector<8x256xi32>
      %gt3A_78 = arith.cmpf ogt, %slice3A_74, %slice3A_75 : vector<8x256xf32>
      %eq3A_79 = arith.cmpf oeq, %slice3A_74, %slice3A_75 : vector<8x256xf32>
      %lt3A_80 = arith.cmpi slt, %slice3A_76, %slice3A_77 : vector<8x256xi32>
      %and3A_81 = arith.andi %eq3A_79, %lt3A_80 : vector<8x256xi1>
      %or3A_82 = arith.ori %gt3A_78, %and3A_81 : vector<8x256xi1>
      %select_n3A_83 = arith.select %or3A_82, %slice3A_74, %slice3A_75 : vector<8x256xi1>, vector<8x256xf32>
      %select_n3A_84 = arith.select %or3A_82, %slice3A_76, %slice3A_77 : vector<8x256xi1>, vector<8x256xi32>
      %slice3A_85 = vector.extract_strided_slice %select_n3A_83 {offsets = [0, 0], sizes = [8, 128], strides = [1, 1]} : vector<8x256xf32> to vector<8x128xf32>
      %slice3A_86 = vector.extract_strided_slice %select_n3A_83 {offsets = [0, 128], sizes = [8, 128], strides = [1, 1]} : vector<8x256xf32> to vector<8x128xf32>
      %slice3A_87 = vector.extract_strided_slice %select_n3A_84 {offsets = [0, 0], sizes = [8, 128], strides = [1, 1]} : vector<8x256xi32> to vector<8x128xi32>
      %slice3A_88 = vector.extract_strided_slice %select_n3A_84 {offsets = [0, 128], sizes = [8, 128], strides = [1, 1]} : vector<8x256xi32> to vector<8x128xi32>
      %gt3A_89 = arith.cmpf ogt, %slice3A_85, %slice3A_86 : vector<8x128xf32>
      %eq3A_90 = arith.cmpf oeq, %slice3A_85, %slice3A_86 : vector<8x128xf32>
      %lt3A_91 = arith.cmpi slt, %slice3A_87, %slice3A_88 : vector<8x128xi32>
      %and3A_92 = arith.andi %eq3A_90, %lt3A_91 : vector<8x128xi1>
      %or3A_93 = arith.ori %gt3A_89, %and3A_92 : vector<8x128xi1>
      %select_n3A_94 = arith.select %or3A_93, %slice3A_85, %slice3A_86 : vector<8x128xi1>, vector<8x128xf32>
      %select_n3A_95 = arith.select %or3A_93, %slice3A_87, %slice3A_88 : vector<8x128xi1>, vector<8x128xi32>
      %reduce_max3A = vector.shape_cast %select_n3A_94 : vector<8x128xf32> to vector<1x8x128xf32>
      %reduce_max3A_96 = arith.constant dense<0xFF800000> : vector<1xf32>
      %reduce_max3A_97 = vector.multi_reduction <maximumf>, %reduce_max3A, %reduce_max3A_96 [1, 2] : vector<1x8x128xf32> to vector<1xf32>
      %reduce_max3A_98 = vector.shape_cast %reduce_max3A_97 : vector<1xf32> to vector<1x1x1xf32>
      %reduce_max3A_99 = vector.extract %reduce_max3A_98[0, 0, 0] : f32 from vector<1x1x1xf32>
      %eq3A_100 = vector.broadcast %reduce_max3A_99 : f32 to vector<8x128xf32>
      %eq3A_101 = arith.cmpf oeq, %select_n3A_94, %eq3A_100 : vector<8x128xf32>
      %jit3A = arith.constant 8192 : i32
      %broadcast_in_dim3A_102 = vector.broadcast %jit3A : i32 to vector<8x128xi32>
      %select_n3A_103 = arith.select %eq3A_101, %select_n3A_95, %broadcast_in_dim3A_102 : vector<8x128xi1>, vector<8x128xi32>
      %reduce_min3A = vector.shape_cast %select_n3A_103 : vector<8x128xi32> to vector<1x8x128xi32>
      %reduce_min3A_104 = arith.constant dense<2147483647> : vector<1xi32>
      %reduce_min3A_105 = vector.multi_reduction <minsi>, %reduce_min3A, %reduce_min3A_104 [1, 2] : vector<1x8x128xi32> to vector<1xi32>
      %reduce_min3A_106 = vector.shape_cast %reduce_min3A_105 : vector<1xi32> to vector<1x1x1xi32>
      %reduce_min3A_107 = vector.extract %reduce_min3A_106[0, 0, 0] : i32 from vector<1x1x1xi32>
      %get3A_108 = arith.constant 1 : index
      %get3A_109 = arith.index_cast %scan3A_45 : i32 to index
      %get3A_110 = arith.constant 0 : index
      %get3A_111 = vector.load %arg1[%get3A_108, %get3A_109, %get3A_110] : memref<2x8192x3xf32, #tpu.memory_space<vmem>>, vector<1x1x3xf32>
      %get3A_112 = vector.shape_cast %get3A_111 : vector<1x1x3xf32> to vector<1x3xf32>
      %swap3A_113 = arith.constant 1 : index
      %swap3A_114 = arith.index_cast %scan3A_42 : i32 to index
      %swap3A_115 = arith.constant 0 : index
      %swap3A_116 = vector.load %arg2[%swap3A_113, %swap3A_114, %swap3A_115] : memref<2x2048x3xf32, #tpu.memory_space<vmem>>, vector<1x1x3xf32>
      %swap3A_117 = vector.shape_cast %swap3A_116 : vector<1x1x3xf32> to vector<1x3xf32>
      %swap3A_118 = vector.shape_cast %get3A_112 : vector<1x3xf32> to vector<1x1x3xf32>
      tpu.vector_store %arg2[%swap3A_113, %swap3A_114, %swap3A_115], %swap3A_118 {strides = array<i32>} : memref<2x2048x3xf32, #tpu.memory_space<vmem>>, vector<1x1x3xf32>,
      %slice3A_119 = vector.extract_strided_slice %get3A_112 {offsets = [0, 0], sizes = [1, 1], strides = [1, 1]} : vector<1x3xf32> to vector<1x1xf32>
      %slice3A_120 = vector.extract_strided_slice %get3A_112 {offsets = [0, 1], sizes = [1, 1], strides = [1, 1]} : vector<1x3xf32> to vector<1x1xf32>
      %slice3A_121 = vector.extract_strided_slice %get3A_112 {offsets = [0, 2], sizes = [1, 1], strides = [1, 1]} : vector<1x3xf32> to vector<1x1xf32>
      %sub3A_122 = vector.broadcast %slice3A_119 : vector<1x1xf32> to vector<8x1024xf32>
      %sub3A_123 = arith.subf %get3A_18, %sub3A_122 : vector<8x1024xf32>
      %sub3A_124 = vector.broadcast %slice3A_120 : vector<1x1xf32> to vector<8x1024xf32>
      %sub3A_125 = arith.subf %get3A_23, %sub3A_124 : vector<8x1024xf32>
      %sub3A_126 = vector.broadcast %slice3A_121 : vector<1x1xf32> to vector<8x1024xf32>
      %sub3A_127 = arith.subf %get3A_28, %sub3A_126 : vector<8x1024xf32>
      %mul3A_128 = arith.mulf %sub3A_123, %sub3A_123 : vector<8x1024xf32>
      %mul3A_129 = arith.mulf %sub3A_125, %sub3A_125 : vector<8x1024xf32>
      %add3A_130 = arith.addf %mul3A_128, %mul3A_129 : vector<8x1024xf32>
      %mul3A_131 = arith.mulf %sub3A_127, %sub3A_127 : vector<8x1024xf32>
      %add3A_132 = arith.addf %add3A_130, %mul3A_131 : vector<8x1024xf32>
      %min3A_133 = arith.minimumf %scan3A_46, %add3A_132 : vector<8x1024xf32>
      %slice3A_134 = vector.extract_strided_slice %min3A_133 {offsets = [0, 0], sizes = [8, 512], strides = [1, 1]} : vector<8x1024xf32> to vector<8x512xf32>
      %slice3A_135 = vector.extract_strided_slice %min3A_133 {offsets = [0, 512], sizes = [8, 512], strides = [1, 1]} : vector<8x1024xf32> to vector<8x512xf32>
      %slice3A_136 = vector.extract_strided_slice %add3A {offsets = [0, 0], sizes = [8, 512], strides = [1, 1]} : vector<8x1024xi32> to vector<8x512xi32>
      %slice3A_137 = vector.extract_strided_slice %add3A {offsets = [0, 512], sizes = [8, 512], strides = [1, 1]} : vector<8x1024xi32> to vector<8x512xi32>
      %gt3A_138 = arith.cmpf ogt, %slice3A_134, %slice3A_135 : vector<8x512xf32>
      %eq3A_139 = arith.cmpf oeq, %slice3A_134, %slice3A_135 : vector<8x512xf32>
      %lt3A_140 = arith.cmpi slt, %slice3A_136, %slice3A_137 : vector<8x512xi32>
      %and3A_141 = arith.andi %eq3A_139, %lt3A_140 : vector<8x512xi1>
      %or3A_142 = arith.ori %gt3A_138, %and3A_141 : vector<8x512xi1>
      %select_n3A_143 = arith.select %or3A_142, %slice3A_134, %slice3A_135 : vector<8x512xi1>, vector<8x512xf32>
      %select_n3A_144 = arith.select %or3A_142, %slice3A_136, %slice3A_137 : vector<8x512xi1>, vector<8x512xi32>
      %slice3A_145 = vector.extract_strided_slice %select_n3A_143 {offsets = [0, 0], sizes = [8, 256], strides = [1, 1]} : vector<8x512xf32> to vector<8x256xf32>
      %slice3A_146 = vector.extract_strided_slice %select_n3A_143 {offsets = [0, 256], sizes = [8, 256], strides = [1, 1]} : vector<8x512xf32> to vector<8x256xf32>
      %slice3A_147 = vector.extract_strided_slice %select_n3A_144 {offsets = [0, 0], sizes = [8, 256], strides = [1, 1]} : vector<8x512xi32> to vector<8x256xi32>
      %slice3A_148 = vector.extract_strided_slice %select_n3A_144 {offsets = [0, 256], sizes = [8, 256], strides = [1, 1]} : vector<8x512xi32> to vector<8x256xi32>
      %gt3A_149 = arith.cmpf ogt, %slice3A_145, %slice3A_146 : vector<8x256xf32>
      %eq3A_150 = arith.cmpf oeq, %slice3A_145, %slice3A_146 : vector<8x256xf32>
      %lt3A_151 = arith.cmpi slt, %slice3A_147, %slice3A_148 : vector<8x256xi32>
      %and3A_152 = arith.andi %eq3A_150, %lt3A_151 : vector<8x256xi1>
      %or3A_153 = arith.ori %gt3A_149, %and3A_152 : vector<8x256xi1>
      %select_n3A_154 = arith.select %or3A_153, %slice3A_145, %slice3A_146 : vector<8x256xi1>, vector<8x256xf32>
      %select_n3A_155 = arith.select %or3A_153, %slice3A_147, %slice3A_148 : vector<8x256xi1>, vector<8x256xi32>
      %slice3A_156 = vector.extract_strided_slice %select_n3A_154 {offsets = [0, 0], sizes = [8, 128], strides = [1, 1]} : vector<8x256xf32> to vector<8x128xf32>
      %slice3A_157 = vector.extract_strided_slice %select_n3A_154 {offsets = [0, 128], sizes = [8, 128], strides = [1, 1]} : vector<8x256xf32> to vector<8x128xf32>
      %slice3A_158 = vector.extract_strided_slice %select_n3A_155 {offsets = [0, 0], sizes = [8, 128], strides = [1, 1]} : vector<8x256xi32> to vector<8x128xi32>
      %slice3A_159 = vector.extract_strided_slice %select_n3A_155 {offsets = [0, 128], sizes = [8, 128], strides = [1, 1]} : vector<8x256xi32> to vector<8x128xi32>
      %gt3A_160 = arith.cmpf ogt, %slice3A_156, %slice3A_157 : vector<8x128xf32>
      %eq3A_161 = arith.cmpf oeq, %slice3A_156, %slice3A_157 : vector<8x128xf32>
      %lt3A_162 = arith.cmpi slt, %slice3A_158, %slice3A_159 : vector<8x128xi32>
      %and3A_163 = arith.andi %eq3A_161, %lt3A_162 : vector<8x128xi1>
      %or3A_164 = arith.ori %gt3A_160, %and3A_163 : vector<8x128xi1>
      %select_n3A_165 = arith.select %or3A_164, %slice3A_156, %slice3A_157 : vector<8x128xi1>, vector<8x128xf32>
      %select_n3A_166 = arith.select %or3A_164, %slice3A_158, %slice3A_159 : vector<8x128xi1>, vector<8x128xi32>
      %reduce_max3A_167 = vector.shape_cast %select_n3A_165 : vector<8x128xf32> to vector<1x8x128xf32>
      %reduce_max3A_168 = arith.constant dense<0xFF800000> : vector<1xf32>
      %reduce_max3A_169 = vector.multi_reduction <maximumf>, %reduce_max3A_167, %reduce_max3A_168 [1, 2] : vector<1x8x128xf32> to vector<1xf32>
      %reduce_max3A_170 = vector.shape_cast %reduce_max3A_169 : vector<1xf32> to vector<1x1x1xf32>
      %reduce_max3A_171 = vector.extract %reduce_max3A_170[0, 0, 0] : f32 from vector<1x1x1xf32>
      %eq3A_172 = vector.broadcast %reduce_max3A_171 : f32 to vector<8x128xf32>
      %eq3A_173 = arith.cmpf oeq, %select_n3A_165, %eq3A_172 : vector<8x128xf32>
      %jit3A_174 = arith.constant 8192 : i32
      %broadcast_in_dim3A_175 = vector.broadcast %jit3A_174 : i32 to vector<8x128xi32>
      %select_n3A_176 = arith.select %eq3A_173, %select_n3A_166, %broadcast_in_dim3A_175 : vector<8x128xi1>, vector<8x128xi32>
      %reduce_min3A_177 = vector.shape_cast %select_n3A_176 : vector<8x128xi32> to vector<1x8x128xi32>
      %reduce_min3A_178 = arith.constant dense<2147483647> : vector<1xi32>
      %reduce_min3A_179 = vector.multi_reduction <minsi>, %reduce_min3A_177, %reduce_min3A_178 [1, 2] : vector<1x8x128xi32> to vector<1xi32>
      %reduce_min3A_180 = vector.shape_cast %reduce_min3A_179 : vector<1xi32> to vector<1x1x1xi32>
      %reduce_min3A_181 = vector.extract %reduce_min3A_180[0, 0, 0] : i32 from vector<1x1x1xi32>
      scf.yield %reduce_min3A_107, %min3A, %reduce_min3A_181, %min3A_133 : i32, vector<8x1024xf32>, i32, vector<8x1024xf32>
    }
    %scan3A_41 = arith.constant 2048 : i32
    return
  }
}

module attributes {stable_mosaic.version = 14 : i64} {
  func.func @_dense_kernel(%arg0: i32, %arg1: memref<1x128x8192xf32, #tpu.memory_space<vmem>>, %arg2: memref<1x3x8192xf32, #tpu.memory_space<vmem>>, %arg3: memref<128x128xf32, #tpu.memory_space<vmem>>, %arg4: memref<128x3xf32, #tpu.memory_space<vmem>>, %arg5: memref<1x128xf32, #tpu.memory_space<vmem>>, %arg6: memref<1x8192x128xf32, #tpu.memory_space<vmem>>) attributes {dimension_semantics = [#tpu.dimension_semantics<arbitrary>], iteration_bounds = array<i64: 2>, scalar_prefetch = 0 : i64, scratch_operands = 0 : i64, tpu.core_type = #tpu.core_type<tc>, window_params = [{transform_indices = @transform_0, window_bounds = array<i64: 1, 128, 8192>}, {transform_indices = @transform_1, window_bounds = array<i64: 1, 3, 8192>}, {pipeline_mode = #tpu.pipeline_mode<synchronous>, transform_indices = @transform_2, window_bounds = array<i64: 128, 128>}, {pipeline_mode = #tpu.pipeline_mode<synchronous>, transform_indices = @transform_3, window_bounds = array<i64: 128, 3>}, {pipeline_mode = #tpu.pipeline_mode<synchronous>, transform_indices = @transform_4, window_bounds = array<i64: 1, 128>}, {transform_indices = @transform_5, window_bounds = array<i64: 1, 8192, 128>}]} {
    %get3A = arith.constant 0 : index
    %get3A_0 = arith.constant 0 : index
    %get3A_1 = arith.constant 0 : index
    %get3A_2 = vector.load %arg1[%get3A, %get3A_0, %get3A_1] : memref<1x128x8192xf32, #tpu.memory_space<vmem>>, vector<1x128x8192xf32>
    %get3A_3 = vector.shape_cast %get3A_2 : vector<1x128x8192xf32> to vector<128x8192xf32>
    %get3A_4 = arith.constant 0 : index
    %get3A_5 = arith.constant 0 : index
    %get3A_6 = vector.load %arg3[%get3A_4, %get3A_5] : memref<128x128xf32, #tpu.memory_space<vmem>>, vector<128x128xf32>
    %dot_general3A = arith.constant dense<0.000000e+00> : vector<8192x128xf32>
    %dot_general3A_7 = tpu.matmul %get3A_3, %get3A_6, %dot_general3A {dimension_numbers = #tpu.dot_dimension_numbers<[0], [1], [1], [0], [0, 1, 1, 0], [], []>, transpose_lhs_hint = false} : vector<128x8192xf32>, vector<128x128xf32>, vector<8192x128xf32> -> vector<8192x128xf32>
    %get3A_8 = arith.constant 0 : index
    %get3A_9 = arith.constant 0 : index
    %get3A_10 = arith.constant 0 : index
    %get3A_11 = vector.load %arg2[%get3A_8, %get3A_9, %get3A_10] : memref<1x3x8192xf32, #tpu.memory_space<vmem>>, vector<1x3x8192xf32>
    %get3A_12 = vector.shape_cast %get3A_11 : vector<1x3x8192xf32> to vector<3x8192xf32>
    %get3A_13 = arith.constant 0 : index
    %get3A_14 = arith.constant 0 : index
    %get3A_15 = vector.load %arg4[%get3A_13, %get3A_14] : memref<128x3xf32, #tpu.memory_space<vmem>>, vector<128x3xf32>
    %dot_general3A_16 = arith.constant dense<0.000000e+00> : vector<8192x128xf32>
    %dot_general3A_17 = tpu.matmul %get3A_12, %get3A_15, %dot_general3A_16 {dimension_numbers = #tpu.dot_dimension_numbers<[0], [1], [1], [0], [0, 1, 1, 0], [], []>, transpose_lhs_hint = false} : vector<3x8192xf32>, vector<128x3xf32>, vector<8192x128xf32> -> vector<8192x128xf32>
    %add3A = arith.addf %dot_general3A_7, %dot_general3A_17 : vector<8192x128xf32>
    %get3A_18 = arith.constant 0 : index
    %get3A_19 = arith.constant 0 : index
    %get3A_20 = vector.load %arg5[%get3A_18, %get3A_19] : memref<1x128xf32, #tpu.memory_space<vmem>>, vector<1x128xf32>
    %add3A_21 = vector.broadcast %get3A_20 : vector<1x128xf32> to vector<8192x128xf32>
    %add3A_22 = arith.addf %add3A, %add3A_21 : vector<8192x128xf32>
    %swap3A = arith.constant 0 : index
    %swap3A_23 = arith.constant 0 : index
    %swap3A_24 = arith.constant 0 : index
    %swap3A_25 = vector.load %arg6[%swap3A, %swap3A_23, %swap3A_24] : memref<1x8192x128xf32, #tpu.memory_space<vmem>>, vector<1x8192x128xf32>
    %swap3A_26 = vector.shape_cast %swap3A_25 : vector<1x8192x128xf32> to vector<8192x128xf32>
    %swap3A_27 = vector.shape_cast %add3A_22 : vector<8192x128xf32> to vector<1x8192x128xf32>
    tpu.vector_store %arg6[%swap3A, %swap3A_23, %swap3A_24], %swap3A_27 {strides = array<i32>} : memref<1x8192x128xf32, #tpu.memory_space<vmem>>, vector<1x8192x128xf32>,
    return
  }
  func.func @transform_0(%arg0: i32) -> (i32, i32, i32) {
    %c0_i32 = arith.constant 0 : i32
    %c0_i32_0 = arith.constant 0 : i32
    %c0_i32_1 = arith.constant 0 : i32
    return %arg0, %c0_i32, %c0_i32_0 : i32, i32, i32
  }
  func.func @transform_1(%arg0: i32) -> (i32, i32, i32) {
    %c0_i32 = arith.constant 0 : i32
    %c0_i32_0 = arith.constant 0 : i32
    %c0_i32_1 = arith.constant 0 : i32
    return %arg0, %c0_i32, %c0_i32_0 : i32, i32, i32
  }
  func.func @transform_2(%arg0: i32) -> (i32, i32) {
    %c0_i32 = arith.constant 0 : i32
    %c0_i32_0 = arith.constant 0 : i32
    %c0_i32_1 = arith.constant 0 : i32
    return %c0_i32, %c0_i32_0 : i32, i32
  }
  func.func @transform_3(%arg0: i32) -> (i32, i32) {
    %c0_i32 = arith.constant 0 : i32
    %c0_i32_0 = arith.constant 0 : i32
    %c0_i32_1 = arith.constant 0 : i32
    return %c0_i32, %c0_i32_0 : i32, i32
  }
  func.func @transform_4(%arg0: i32) -> (i32, i32) {
    %c0_i32 = arith.constant 0 : i32
    %c0_i32_0 = arith.constant 0 : i32
    %c0_i32_1 = arith.constant 0 : i32
    return %c0_i32, %c0_i32_0 : i32, i32
  }
  func.func @transform_5(%arg0: i32) -> (i32, i32, i32) {
    %c0_i32 = arith.constant 0 : i32
    %c0_i32_0 = arith.constant 0 : i32
    %c0_i32_1 = arith.constant 0 : i32
    return %arg0, %c0_i32, %c0_i32_0 : i32, i32, i32
  }
}

module attributes {stable_mosaic.version = 14 : i64} {
  func.func @_mlp_kernel(%arg0: i32, %arg1: i32, %arg2: memref<128x32x128xf32, #tpu.memory_space<vmem>>, %arg3: memref<1x128x3xf32, #tpu.memory_space<vmem>>, %arg4: memref<256x128xf32, #tpu.memory_space<vmem>>, %arg5: memref<1x256xf32, #tpu.memory_space<vmem>>, %arg6: memref<128x3xf32, #tpu.memory_space<vmem>>, %arg7: memref<128x256xf32, #tpu.memory_space<vmem>>) attributes {dimension_semantics = [#tpu.dimension_semantics<arbitrary>, #tpu.dimension_semantics<arbitrary>], iteration_bounds = array<i64: 2, 16>, scalar_prefetch = 0 : i64, scratch_operands = 0 : i64, tpu.core_type = #tpu.core_type<tc>, window_params = [{transform_indices = @transform_0, window_bounds = array<i64: 128, 32, 128>}, {transform_indices = @transform_1, window_bounds = array<i64: 1, 128, 3>}, {pipeline_mode = #tpu.pipeline_mode<synchronous>, transform_indices = @transform_2, window_bounds = array<i64: 256, 128>}, {pipeline_mode = #tpu.pipeline_mode<synchronous>, transform_indices = @transform_3, window_bounds = array<i64: 1, 256>}, {pipeline_mode = #tpu.pipeline_mode<synchronous>, transform_indices = @transform_4, window_bounds = array<i64: 128, 3>}, {transform_indices = @transform_5, window_bounds = array<i64: 128, 256>}]} {
    %get3A = arith.constant 0 : index
    %get3A_0 = arith.constant 0 : index
    %get3A_1 = arith.constant 0 : index
    %get3A_2 = vector.load %arg3[%get3A, %get3A_0, %get3A_1] : memref<1x128x3xf32, #tpu.memory_space<vmem>>, vector<1x128x3xf32>
    %get3A_3 = vector.shape_cast %get3A_2 : vector<1x128x3xf32> to vector<128x3xf32>
    %get3A_4 = arith.constant 0 : index
    %get3A_5 = arith.constant 0 : index
    %get3A_6 = vector.load %arg6[%get3A_4, %get3A_5] : memref<128x3xf32, #tpu.memory_space<vmem>>, vector<128x3xf32>
    %dot_general3A = arith.constant dense<0.000000e+00> : vector<128x128xf32>
    %dot_general3A_7 = tpu.matmul %get3A_3, %get3A_6, %dot_general3A {dimension_numbers = #tpu.dot_dimension_numbers<[1], [1], [0], [0], [0, 0, 1, 0], [], []>, transpose_lhs_hint = false} : vector<128x3xf32>, vector<128x3xf32>, vector<128x128xf32> -> vector<128x128xf32>
    %get3A_8 = arith.constant 0 : index
    %get3A_9 = arith.constant 0 : index
    %get3A_10 = arith.constant 0 : index
    %get3A_11 = vector.load %arg2[%get3A_8, %get3A_9, %get3A_10] : memref<128x32x128xf32, #tpu.memory_space<vmem>>, vector<128x32x128xf32>
    %broadcast_in_dim3A = vector.shape_cast %dot_general3A_7 : vector<128x128xf32> to vector<128x1x128xf32>
    %sub3A = vector.broadcast %broadcast_in_dim3A : vector<128x1x128xf32> to vector<128x32x128xf32>
    %sub3A_12 = arith.subf %get3A_11, %sub3A : vector<128x32x128xf32>
    %max3A = arith.constant 0.000000e+00 : f32
    %max3A_13 = vector.broadcast %max3A : f32 to vector<128x32x128xf32>
    %max3A_14 = arith.maximumf %sub3A_12, %max3A_13 : vector<128x32x128xf32>
    %reshape3A = vector.shape_cast %max3A_14 : vector<128x32x128xf32> to vector<4096x128xf32>
    %get3A_15 = arith.constant 0 : index
    %get3A_16 = arith.constant 0 : index
    %get3A_17 = vector.load %arg4[%get3A_15, %get3A_16] : memref<256x128xf32, #tpu.memory_space<vmem>>, vector<256x128xf32>
    %dot_general3A_18 = arith.constant dense<0.000000e+00> : vector<4096x256xf32>
    %dot_general3A_19 = tpu.matmul %reshape3A, %get3A_17, %dot_general3A_18 {dimension_numbers = #tpu.dot_dimension_numbers<[1], [1], [0], [0], [0, 0, 1, 0], [], []>, transpose_lhs_hint = false} : vector<4096x128xf32>, vector<256x128xf32>, vector<4096x256xf32> -> vector<4096x256xf32>
    %get3A_20 = arith.constant 0 : index
    %get3A_21 = arith.constant 0 : index
    %get3A_22 = vector.load %arg5[%get3A_20, %get3A_21] : memref<1x256xf32, #tpu.memory_space<vmem>>, vector<1x256xf32>
    %add3A = vector.broadcast %get3A_22 : vector<1x256xf32> to vector<4096x256xf32>
    %add3A_23 = arith.addf %dot_general3A_19, %add3A : vector<4096x256xf32>
    %reshape3A_24 = vector.shape_cast %add3A_23 : vector<4096x256xf32> to vector<128x32x256xf32>
    %reduce_max3A = arith.constant dense<0xFF800000> : vector<128x256xf32>
    %reduce_max3A_25 = vector.multi_reduction <maximumf>, %reshape3A_24, %reduce_max3A [1] : vector<128x32x256xf32> to vector<128x256xf32>
    %swap3A = arith.constant 0 : index
    %swap3A_26 = arith.constant 0 : index
    %swap3A_27 = vector.load %arg7[%swap3A, %swap3A_26] : memref<128x256xf32, #tpu.memory_space<vmem>>, vector<128x256xf32>
    tpu.vector_store %arg7[%swap3A, %swap3A_26], %reduce_max3A_25 {strides = array<i32>} : memref<128x256xf32, #tpu.memory_space<vmem>>, vector<128x256xf32>,
    return
  }
  func.func @transform_0(%arg0: i32, %arg1: i32) -> (i32, i32, i32) {
    %mul3A = arith.constant 16 : i32
    %mul3A_0 = arith.muli %arg0, %mul3A : i32
    %add3A = arith.addi %mul3A_0, %arg1 : i32
    %c0_i32 = arith.constant 0 : i32
    %c0_i32_1 = arith.constant 0 : i32
    %c0_i32_2 = arith.constant 0 : i32
    return %add3A, %c0_i32, %c0_i32_1 : i32, i32, i32
  }
  func.func @transform_1(%arg0: i32, %arg1: i32) -> (i32, i32, i32) {
    %c0_i32 = arith.constant 0 : i32
    %c0_i32_0 = arith.constant 0 : i32
    return %arg0, %arg1, %c0_i32 : i32, i32, i32
  }
  func.func @transform_2(%arg0: i32, %arg1: i32) -> (i32, i32) {
    %c0_i32 = arith.constant 0 : i32
    %c0_i32_0 = arith.constant 0 : i32
    %c0_i32_1 = arith.constant 0 : i32
    return %c0_i32, %c0_i32_0 : i32, i32
  }
  func.func @transform_3(%arg0: i32, %arg1: i32) -> (i32, i32) {
    %c0_i32 = arith.constant 0 : i32
    %c0_i32_0 = arith.constant 0 : i32
    %c0_i32_1 = arith.constant 0 : i32
    return %c0_i32, %c0_i32_0 : i32, i32
  }
  func.func @transform_4(%arg0: i32, %arg1: i32) -> (i32, i32) {
    %c0_i32 = arith.constant 0 : i32
    %c0_i32_0 = arith.constant 0 : i32
    %c0_i32_1 = arith.constant 0 : i32
    return %c0_i32, %c0_i32_0 : i32, i32
  }
  func.func @transform_5(%arg0: i32, %arg1: i32) -> (i32, i32) {
    %mul3A = arith.constant 16 : i32
    %mul3A_0 = arith.muli %arg0, %mul3A : i32
    %add3A = arith.addi %mul3A_0, %arg1 : i32
    %c0_i32 = arith.constant 0 : i32
    %c0_i32_1 = arith.constant 0 : i32
    return %add3A, %c0_i32 : i32, i32
  }
}

module attributes {stable_mosaic.version = 14 : i64} {
  func.func @_bn_kernel(%arg0: memref<4096x256xf32, #tpu.memory_space<vmem>>, %arg1: memref<1x256xf32, #tpu.memory_space<vmem>>, %arg2: memref<1x256xf32, #tpu.memory_space<vmem>>, %arg3: memref<4096x256xf32, #tpu.memory_space<vmem>>) attributes {dimension_semantics = [], scalar_prefetch = 0 : i64, scratch_operands = 0 : i64, tpu.core_type = #tpu.core_type<tc>} {
    %get3A = arith.constant 0 : index
    %get3A_0 = arith.constant 0 : index
    %get3A_1 = vector.load %arg0[%get3A, %get3A_0] : memref<4096x256xf32, #tpu.memory_space<vmem>>, vector<4096x256xf32>
    %reduce_sum3A = arith.constant dense<0.000000e+00> : vector<256xf32>
    %reduce_sum3A_2 = vector.multi_reduction <add>, %get3A_1, %reduce_sum3A [0] : vector<4096x256xf32> to vector<256xf32>
    %broadcast_in_dim3A = vector.shape_cast %reduce_sum3A_2 : vector<256xf32> to vector<1x256xf32>
    %div3A = arith.constant 4.096000e+03 : f32
    %div3A_3 = vector.broadcast %div3A : f32 to vector<1x256xf32>
    %div3A_4 = arith.divf %broadcast_in_dim3A, %div3A_3 : vector<1x256xf32>
    %sub3A = vector.broadcast %div3A_4 : vector<1x256xf32> to vector<4096x256xf32>
    %sub3A_5 = arith.subf %get3A_1, %sub3A : vector<4096x256xf32>
    %mul3A = arith.mulf %sub3A_5, %sub3A_5 : vector<4096x256xf32>
    %reduce_sum3A_6 = arith.constant dense<0.000000e+00> : vector<256xf32>
    %reduce_sum3A_7 = vector.multi_reduction <add>, %mul3A, %reduce_sum3A_6 [0] : vector<4096x256xf32> to vector<256xf32>
    %broadcast_in_dim3A_8 = vector.shape_cast %reduce_sum3A_7 : vector<256xf32> to vector<1x256xf32>
    %div3A_9 = arith.constant 4.096000e+03 : f32
    %div3A_10 = vector.broadcast %div3A_9 : f32 to vector<1x256xf32>
    %div3A_11 = arith.divf %broadcast_in_dim3A_8, %div3A_10 : vector<1x256xf32>
    %add3A = arith.constant 9.99999974E-6 : f32
    %add3A_12 = vector.broadcast %add3A : f32 to vector<1x256xf32>
    %add3A_13 = arith.addf %div3A_11, %add3A_12 : vector<1x256xf32>
    %sqrt3A = math.sqrt %add3A_13 : vector<1x256xf32>
    %div3A_14 = vector.broadcast %sqrt3A : vector<1x256xf32> to vector<4096x256xf32>
    %div3A_15 = arith.divf %sub3A_5, %div3A_14 : vector<4096x256xf32>
    %get3A_16 = arith.constant 0 : index
    %get3A_17 = arith.constant 0 : index
    %get3A_18 = vector.load %arg1[%get3A_16, %get3A_17] : memref<1x256xf32, #tpu.memory_space<vmem>>, vector<1x256xf32>
    %mul3A_19 = vector.broadcast %get3A_18 : vector<1x256xf32> to vector<4096x256xf32>
    %mul3A_20 = arith.mulf %div3A_15, %mul3A_19 : vector<4096x256xf32>
    %get3A_21 = arith.constant 0 : index
    %get3A_22 = arith.constant 0 : index
    %get3A_23 = vector.load %arg2[%get3A_21, %get3A_22] : memref<1x256xf32, #tpu.memory_space<vmem>>, vector<1x256xf32>
    %add3A_24 = vector.broadcast %get3A_23 : vector<1x256xf32> to vector<4096x256xf32>
    %add3A_25 = arith.addf %mul3A_20, %add3A_24 : vector<4096x256xf32>
    %swap3A = arith.constant 0 : index
    %swap3A_26 = arith.constant 0 : index
    %swap3A_27 = vector.load %arg3[%swap3A, %swap3A_26] : memref<4096x256xf32, #tpu.memory_space<vmem>>, vector<4096x256xf32>
    tpu.vector_store %arg3[%swap3A, %swap3A_26], %add3A_25 {strides = array<i32>} : memref<4096x256xf32, #tpu.memory_space<vmem>>, vector<4096x256xf32>,
    return
  }
}

</mosaic_0001>

<sc_bundles>
// kernel: kernel.8.cloned.1.call-start
scs
__scs_entry_jumppad:
0x0: {  	(pc) =	sbr.rel $0x88, $3  }
0x1: {  	(tag) =	ssettag $0x0;
	lr =	simm.s32 $0x1  }
0x2: {  	[smem:$0x3F99] =	sst lr;
	_ =	strace $0xD0000000  }
0x3: {  	_ = 	snop  }
0x4: {  	_ = 	snop  }
0x5: {  	_ = 	snop  }
0x6: {  	_ = 	snop  }
0x7: {  	_ = 	snop  }
__scs_overlays_trampoline_lowered:
0x8: {  	[smem:$0x3FA8] =	sst s0  }
0x9: {  	[smem:$0x3FA9] =	sst s1  }
0xa: {  	[smem:$0x3FAA] =	sst s2  }
0xb: {  	[smem:$0x3FAB] =	sst s3  }
0xc: {  	[smem:$0x3FAC] =	sst s4  }
0xd: {  	[smem:$0x3FAD] =	sst s5  }
0xe: {  	[smem:$0x3FAE] =	sst s6  }
0xf: {  	[smem:$0x3FAF] =	sst s7  }
0x10: {  	[smem:$0x3FB0] =	sst s8  }
0x11: {  	[smem:$0x3FB1] =	sst s9;
	s0 =	simm.s32 @!p0 $0x0  }
0x12: {  	s1 =	sld [smem:$0x3F97];
	s0 =	simm.s32 @p0 $0x1  }
0x13: {  	[smem:$0x3FB2] =	sst s0;
	s0 =	simm.s32 @!p1 $0x0  }
0x14: {  	s2 =	sld [smem:$0x3F96];
	s0 =	simm.s32 @p1 $0x1  }
0x15: {  	[smem:$0x3FB3] =	sst s0;
	s0 =	simm.s32 @!p2 $0x0  }
0x16: {  	s3 =	sld [smem:$0x3FDB];
	s0 =	simm.s32 @p2 $0x1  }
0x17: {  	s4 =	simm.s32 $0x1BF5;
	[smem:$0x3FB5] =	sst s0  }
0x18: {  	s0 =	sld [smem:$0x3F98];
	_ =	swait.ge [sflag:s4], $0x0  }
0x19: {  	s7 =	sld [smem:$0x3F99]  }
0x1a: {  	s8 =	sadd.s32 $0xFFFFE003, lr  }
0x1b: {  	s9 =	sadd.s32 $0xFFFFFEF7, lr;
	s5 =	simm.s32 $0xFFFFFFFF;
	p2 =	slt.u32 s8, $0xFFFFF086  }
0x1c: {  	p1 =	slt.u32 s9, $0xF7A;
	s5 =	simm.s32 @!p2 $0x0  }
0x1d: {  	s5 =	simm.s32 @p1 $0x1;
	p0 =	seq.s32 s7, s2  }
0x1e: {  	s7 =	smul.u32 @!p0 $0xF7A, s2;
	p2 =	seq.s32 @!p0 s5, $0x0  }
0x1f: {  	s9 =	smul.u32 $0xF7A, s1;
	s8 =	simm.s32 @!p0 $0x1BF5;
	p2 =	por !p2, p0  }
0x20: {  	[sflag:s8] =	ssyncset.s32 @!p0 $0xFFFFF086;
	s6 =	sadd.s32 @!p0 s3, s7;
	s7 =	simm.s32 @!p0 $0x108  }
0x21: {  	s3 =	sadd.s32 s3, s9;
	s6 =	sadd.s32 @!p0 $0x88, s6;
	s7 =	simm.s32 @p2 $0x1082  }
0x22: {  	[simem:s7], [sflag:s8] =	dma.local @!p0 [hbm:s6], $0xF7A  }
0x23: {  	s9 =	sor.u32 $0xD0000000, s2;
	s6 =	simm.s32 $0x108;
	_ =	swait.ge @!p0 [sflag:s8], $0x0  }
0x24: {  	s3 =	sadd.s32 $0x88, s3;
	s6 =	simm.s32 @!p1 $0x1082;
	[sflag:s4] =	ssyncset.s32 $0xFFFFF086  }
0x25: {  	[simem:s6], [sflag:s4] =	dma.local [hbm:s3], $0xF7A  }
0x26: {  	[smem:$0x3F99] =	sst s1;
	(tag) =	ssettag s2;
	_ =	strace s9  }
0x27: {  	s1 =	sld [smem:$0x3FA9]  }
0x28: {  	s2 =	sld [smem:$0x3FAA]  }
0x29: {  	s4 =	sld [smem:$0x3FAC]  }
0x2a: {  	p0 =	seq.s32 s5, $0x0;
	s5 =	sld [smem:$0x3FAD]  }
0x2b: {  	s6 =	sld [smem:$0x3FAE]  }
0x2c: {  	s7 =	sld [smem:$0x3FAF]  }
0x2d: {  	s3 =	simm.s32 $0x108;
	s8 =	sld [smem:$0x3FB0]  }
0x2e: {  	s3 =	simm.s32 @!p0 $0x1082;
	s9 =	sld [smem:$0x3FB1]  }
0x2f: {  	lr =	sadd.s32 s0, s3;
	s0 =	sld [smem:$0x3FA8]  }
0x30: {  	s3 =	sld [smem:$0x3FAB]  }
0x31: {  	[smem:$0x3FB4] =	sst s10  }
0x32: {  	s10 =	sld [smem:$0x3FB2];
	_ =	sdelay $0x3  }
0x33: {  	p0 =	seq.s32 s10, $0x1;
	s10 =	sld [smem:$0x3FB4];
	_ =	sdelay $0x3  }
0x34: {  	[smem:$0x3FB4] =	sst s10  }
0x35: {  	s10 =	sld [smem:$0x3FB3];
	_ =	sdelay $0x3  }
0x36: {  	p1 =	seq.s32 s10, $0x1;
	s10 =	sld [smem:$0x3FB4];
	_ =	sdelay $0x3  }
0x37: {  	[smem:$0x3FB4] =	sst s10  }
0x38: {  	s10 =	sld [smem:$0x3FB5]  }
0x39: {  	_ = 	snop;
	(pc) =	sbr.ind lr, $3  }
0x3a: {  	_ = 	snop  }
0x3b: {  	_ = 	snop  }
0x3c: {  	p2 =	seq.s32 s10, $0x1;
	s10 =	sld [smem:$0x3FB4]  }
0x3d: {  	_ =	shalt  }
0x3e: {  	_ =	shalt  }
0x3f: {  	_ =	shalt  }
0x40: {  	_ =	shalt  }
0x41: {  	_ =	shalt  }
0x42: {  	_ =	shalt  }
0x43: {  	_ =	shalt  }
0x44: {  	_ =	shalt  }
0x45: {  	_ =	shalt  }
0x46: {  	_ =	shalt  }
0x47: {  	_ =	shalt  }
0x48: {  	_ =	shalt  }
0x49: {  	_ =	shalt  }
0x4a: {  	_ =	shalt  }
0x4b: {  	_ =	shalt  }
0x4c: {  	_ =	shalt  }
0x4d: {  	_ =	shalt  }
0x4e: {  	_ =	shalt  }
0x4f: {  	_ =	shalt  }
0x50: {  	_ =	shalt  }
0x51: {  	_ =	shalt  }
0x52: {  	_ =	shalt  }
0x53: {  	_ =	shalt  }
0x54: {  	_ =	shalt  }
0x55: {  	_ =	shalt  }
0x56: {  	_ =	shalt  }
0x57: {  	_ =	shalt  }
0x58: {  	_ =	shalt  }
0x59: {  	_ =	shalt  }
0x5a: {  	_ =	shalt  }
0x5b: {  	_ =	shalt  }
0x5c: {  	_ =	shalt  }
0x5d: {  	_ =	shalt  }
0x5e: {  	_ =	shalt  }
0x5f: {  	_ =	shalt  }
0x60: {  	_ =	shalt  }
0x61: {  	_ =	shalt  }
0x62: {  	_ =	shalt  }
0x63: {  	_ =	shalt  }
0x64: {  	_ =	shalt  }
0x65: {  	_ =	shalt  }
0x66: {  	_ =	shalt  }
0x67: {  	_ =	shalt  }
0x68: {  	_ =	shalt  }
0x69: {  	_ =	shalt  }
0x6a: {  	_ =	shalt  }
0x6b: {  	_ =	shalt  }
0x6c: {  	_ =	shalt  }
0x6d: {  	_ =	shalt  }
0x6e: {  	_ =	shalt  }
0x6f: {  	_ =	shalt  }
0x70: {  	_ =	shalt  }
0x71: {  	_ =	shalt  }
0x72: {  	_ =	shalt  }
0x73: {  	_ =	shalt  }
0x74: {  	_ =	shalt  }
0x75: {  	_ =	shalt  }
0x76: {  	_ =	shalt  }
0x77: {  	_ =	shalt  }
0x78: {  	_ =	shalt  }
0x79: {  	_ =	shalt  }
0x7a: {  	_ =	shalt  }
0x7b: {  	_ =	shalt  }
0x7c: {  	_ =	shalt  }
0x7d: {  	_ =	shalt  }
0x7e: {  	_ =	shalt  }
0x7f: {  	_ =	shalt  }
0x80: {  	_ =	shalt  }
0x81: {  	_ =	shalt  }
0x82: {  	_ =	shalt  }
0x83: {  	_ =	shalt  }
0x84: {  	_ =	shalt  }
0x85: {  	_ =	shalt  }
0x86: {  	_ =	shalt  }
0x87: {  	_ =	shalt  }
.Lfunc_end0:
.L_simem_size_0:
called_computation_lowered:
.L_overlay_start_0:
0x88: {  	s2 =	sld [smem:$0x3FD9]  }
0x89: {  	s3 =	sld [smem:$0x3FFE];
	_ =	sdelay $0x1  }
0x8a: {  	s1 =	srdreg.scid  }
0x8b: {  	s0 =	sand.u32 $0x1, s1  }
0x8c: {  	s14 =	sshll.u32 s0, $0xA;
	s2 =	sadd.s32 s3, s2  }
0x8d: {  	s2 =	sadd.s32 s2, s14  }
0x8e: {  	[smem:$0x3FC0] =	sst s2  }
0x8f: {  	_ = 	snop  }
0x90: {  	s2 =	sld [smem:$0x3FD0];
	_ =	sdelay $0x2  }
0x91: {  	s15 =	simm.s32 $0xA;
	s4 =	simm.s32 $0x10  }
0x92: {  	[smem:s4], [sflag:s15] =	dma.local [hbm:s2], $0x1  }
0x93: {  	_ =	swait.eq [sflag:s15], $0x1  }
0x94: {  	[sflag:s15] =	ssyncset.done $0x0  }
0x95: {  	[sflag:s15] =	ssyncadd.s32 $0xFFFFFFFF  }
0x96: {  	s16 =	sld [smem:$0x11];
	(tm) =	ssettm $0x1  }
0x97: {  	s17 =	sld [smem:$0x3FFB];
	_ =	sdelay $0x3  }
0x98: {  	_ =	strace s17  }
0x99: {  	s3 =	sld [smem:$0x3FFC];
	_ =	sdelay $0x3  }
0x9a: {  	_ =	strace s3  }
0x9b: {  	s3 =	sld [smem:$0x3FFD];
	_ =	sdelay $0x3  }
0x9c: {  	_ =	strace s3  }
0x9d: {  	_ =	strace $0x8FFFFFFF  }
0x9e: {  	s18 =	sld [smem:$0x3FDB];
	_ =	sdelay $0x1  }
0x9f: {  	s19 =	simm.s32 $_scs_section_size  }
0xa0: {  	s5 =	simm.s32 $_size__tile_overlayer_lowered;
	s6 =	simm.s32 $_tile_overlayer_lowered  }
0xa1: {  	s22 =	simm.s32 $0x1BFF;
	s21 =	sshll.u32 s6, $0x1;
	s3 =	sadd.s32 s19, s18  }
0xa2: {  	s7 =	simm.s32 $0x0;
	s20 =	sshll.u32 s5, $0x1;
	s5 =	sadd.s32 s21, s3  }
0xa3: {  	[timem:s7], [sflag:s22] =	dma.local [hbm:s5], s20  }
0xa4: {  	_ =	swait.ge [sflag:s22], s20  }
0xa5: {  	s4 =	ssub.s32 $0x0, s20;
	[sflag:s22] =	ssyncset.done $0x0  }
0xa6: {  	[sflag:s22] =	ssyncadd.s32 s4;
	_ =	sdelay $0x1  }
0xa7: {  	s23 =	simm.s32 $0x1B8B  }
0xa8: {  	_ =	swait.ge [sflag:s23], $0x1  }
0xa9: {  	[sflag:s23] =	ssyncset.done $0x0  }
0xaa: {  	s25 =	simm.s32 $0x1B8E;
	s24 =	sld [smem:$0x3FFE];
	[sflag:s23] =	ssyncadd.s32 $0xFFFFFFFF  }
0xab: {  	s26 =	simm.s32 $execute0_lowered;
	[smem:$0x3FD2] =	sst s25  }
0xac: {  	s5 =	sshll.u32 s26, $0x1;
	_ =	strace $0x80000046;
	[dreg:$0x1] =	wrdreg $0xFFFFFFFF  }
0xad: {  	s28 =	simm.s32 $_size_execute0_lowered;
	s3 =	sadd.s32 s3, s5;
	[dreg:$0x0] =	wrdreg $0x0  }
0xae: {  	s5 =	sshll.u32 s28, $0x1;
	[dreg:$0x2] =	wrdreg s3  }
0xaf: {  	[dreg:$0x3] =	wrdreg s5  }
0xb0: {  	[dreg:$0x4] =	wrdreg $0xC0  }
0xb1: {  	_ =	task [dreg:s7], $0x5FFFF  }
0xb2: {  	[dreg:$0x1] =	wrdreg $0xFFFFFFFF  }
0xb3: {  	[dreg:$0x0] =	wrdreg $0x60  }
0xb4: {  	[dreg:$0x2] =	wrdreg s24  }
0xb5: {  	[dreg:$0x3] =	wrdreg s16  }
0xb6: {  	[dreg:$0x4] =	wrdreg $0x9  }
0xb7: {  	_ =	task.clear_ibuf [dreg:s7], $0x5FFFF;
	_ =	strace $0x90000046  }
0xb8: {  	s29 =	simm.s32 $0x9;
	_ =	strace $0x80000048  }
0xb9: {  	_ =	swait.ge [sflag:s29], $0x1  }
0xba: {  	[sflag:s29] =	ssyncadd.s32 $0xFFFFFFFF  }
0xbb: {  	_ =	strace $0x90000048  }
0xbc: {  	_ =	sfence  }
0xbd: {  	s30 =	sld [smem:$0x0];
	_ =	sdelay $0x2  }
0xbe: {  	s31 =	sshll.u32 s1, $0xD;
	s1 =	sshrl.u32 s1, $0x2  }
0xbf: {  	s3 =	sand.u32 $0x4000, s31;
	s1 =	sadd.s32 s1, s30  }
0xc0: {  	s0 =	sor.u32 s3, s0;
	s1 =	sshll.u32 s1, $0x11  }
0xc1: {  	s0 =	sor.u32 s1, s0  }
0xc2: {  	s0 =	sadd.s32 $0x8F2B, s0  }
0xc3: {  	[sflag:s0] =	ssyncadd.remote.s32 $0x1  }
0xc4: {  	_ =	sfence.sel $0xFFFF  }
0xc5: {  	[dreg:$0x0] =	wrdreg $0xFFFFFFFF;
	(pc) =	sbr.abs _section_cstart, $3  }
0xc6: {  	[dreg:$0x1] =	wrdreg $0xFFFFFFFF  }
0xc7: {  	_ =	task.clear_ibuf [dreg:s7], $0x2FFFF;
	_ =	strace $0x9FFFFFFF  }
0xc8: {  	(tm) =	ssettm $0x7FFFFFFF  }
0xc9: {  	_ =	shalt  }
tec
execute0_lowered:
.L_overlay_start_1:
0x0: {  	(tag) =	ssettag $0x1  }
0x1: {  	s4 =	rddreg [dreg:$0x0]  }
0x2: {  	s6 =	rddreg [dreg:$0x1]  }
0x3: {  	s0 =	rddreg [dreg:$0x2];
	s2 =	simm.s32 $0x0;
	s1 =	stileid.u32  }
0x4: {  	s3 =	srdreg.scid;
	[smem:$0x7FF] =	sst s2  }
0x5: {  	s5 =	sshll.u32 s1, $0x11;
	s7 =	sand.u32 $0x1, s3;
	s3 =	sadd.s32 $0x1E00, s4  }
0x6: {  	s9 =	sshll.u32 s1, $0xD;
	_ =	strace $0x80000047;
	s5 =	sadd.s32 s5, s4  }
0x7: {  	s29 =	ssub.s32 $0x2, s7;
	s10 =	sshll.u32 s7, $0xC;
	s7 =	sshll.u32 s7, $0x10  }
0x8: {  	s8 =	sshrl.u32 s29, $0x1;
	s30 =	sor.u32 s10, s9;
	s5 =	sadd.s32 s7, s5  }
0x9: {  	s7 =	simm.s32 $0x2;
	s9 =	simm.s32 $0x1;
	s10 =	simm.s32 $0x0  }
0xa: {  	s4 =	ssub.s32 s29, s8;
	s31 =	sshrl.u32 s30, $0x3;
	s5 =	sadd.s32 $0x41E00, s5  }
0xb: {  	s8 =	simm.s32 $0x80;
	s4 =	smax.u32 s4, $0x1;
	s6 =	sadd.s32 s31, s6  }
.LBB2_1:
0xc: {  	s11 =	sadd.s32 $0x0, s6  }
0xd: {  	[tilespmem:s2], [sflag:$0x2] =	stream.linear.gather [hbm4b:s11+s2], $0x80, $0x38;
	[tilespmem:$0x4080] =	vst v63  }
0xe: {  	_ =	swait.ge [sflag:s7], $0x80  }
0xf: {  	[sflag:s7] =	ssyncset.done $0x0  }
0x10: {  	[sflag:s7] =	ssyncadd.s32 $0xFFFFFF80  }
0x11: {  	[tilespmem:s8], [sflag:$0x1] =	stream.indirect.gather [hbm4b:s3+s8], $0x80, s2, s8, $0xb8;
	[tilespmem:$0x4080] =	vst v63  }
0x12: {  	_ =	swait.ge [sflag:s9], $0x4000  }
0x13: {  	[sflag:s9] =	ssyncset.done $0x0  }
0x14: {  	[sflag:s9] =	ssyncadd.s32 $0xFFFFC000  }
0x15: {  	[hbm4b:s5+s2] =	stream.linear.scatter [tilespmem:s8], [sflag:$0x2], $0x4000, $0x38;
	[tilespmem:$0x4080] =	vst v63  }
0x16: {  	s12 =	simm.s32 $0x10;
	_ =	swait.ge [sflag:s7], $0x4000  }
0x17: {  	s13 =	simm.s32 $0x20;
	s11 =	sadd.s32 $0x800, s5;
	[sflag:s7] =	ssyncset.done $0x0  }
.LBB2_2:
0x18: {  	s14 =	sadd.s32 s12, s6  }
0x19: {  	[sflag:s7] =	ssyncadd.s32 $0xFFFFC000;
	s12 =	smov.u32 s13;
	s15 =	sadd.s32 $0x10, s13  }
0x1a: {  	[tilespmem:s2], [sflag:$0x2] =	stream.linear.gather [hbm4b:s14+s2], $0x80, $0x38;
	[tilespmem:$0x4080] =	vst v63  }
0x1b: {  	p0 =	sne.s32 s13, $0x1F0;
	_ =	swait.ge [sflag:s7], $0x80  }
0x1c: {  	[sflag:s7] =	ssyncset.done $0x0  }
0x1d: {  	[sflag:s7] =	ssyncadd.s32 $0xFFFFFF80  }
0x1e: {  	[tilespmem:s8], [sflag:$0x1] =	stream.indirect.gather [hbm4b:s3+s8], $0x80, s2, s8, $0xb8;
	[tilespmem:$0x4080] =	vst v63  }
0x1f: {  	_ =	swait.ge [sflag:s9], $0x4000  }
.Ltmp0:
0x20: {  	[sflag:s9] =	ssyncset.done $0x0;
	(pc) =	sbr.rel @p0 .LBB2_2-.Ltmp0, $4  }
0x21: {  	[sflag:s9] =	ssyncadd.s32 $0xFFFFC000  }
0x22: {  	[hbm4b:s11+s2] =	stream.linear.scatter [tilespmem:s8], [sflag:$0x2], $0x4000, $0x38;
	[tilespmem:$0x4080] =	vst v63  }
0x23: {  	_ =	swait.ge [sflag:s7], $0x4000  }
0x24: {  	s13 =	smov.u32 s15;
	s11 =	sadd.s32 $0x800, s11;
	[sflag:s7] =	ssyncset.done $0x0  }
0x25: {  	s12 =	sadd.s32 s12, s6;
	[sflag:s7] =	ssyncadd.s32 $0xFFFFC000  }
0x26: {  	[tilespmem:s2], [sflag:$0x2] =	stream.linear.gather [hbm4b:s12+s2], $0x80, $0x38;
	[tilespmem:$0x4080] =	vst v63  }
0x27: {  	_ =	swait.ge [sflag:s7], $0x80  }
0x28: {  	[sflag:s7] =	ssyncset.done $0x0  }
0x29: {  	[sflag:s7] =	ssyncadd.s32 $0xFFFFFF80  }
0x2a: {  	[tilespmem:s8], [sflag:$0x1] =	stream.indirect.gather [hbm4b:s3+s8], $0x80, s2, s8, $0xb8;
	[tilespmem:$0x4080] =	vst v63  }
0x2b: {  	s10 =	sadd.s32 $0x1, s10;
	_ =	swait.ge [sflag:s9], $0x4000  }
0x2c: {  	p0 =	sne.s32 s10, s4;
	[sflag:s9] =	ssyncset.done $0x0  }
.Ltmp1:
0x2d: {  	[sflag:s9] =	ssyncadd.s32 $0xFFFFC000;
	(pc) =	sbr.rel @p0 .LBB2_1-.Ltmp1, $4  }
0x2e: {  	[hbm4b:s11+s2] =	stream.linear.scatter [tilespmem:s8], [sflag:$0x2], $0x4000, $0x38;
	[tilespmem:$0x4080] =	vst v63  }
0x2f: {  	_ =	swait.ge [sflag:s7], $0x4000  }
0x30: {  	[sflag:s7] =	ssyncset.done $0x0  }
0x31: {  	[sflag:s7] =	ssyncadd.s32 $0xFFFFC000  }
0x32: {  	_ =	sfence.sel $0x180000  }
0x33: {  	[bflag:$0x0] =	sbarrier.arrive $0xFFFF  }
0x34: {  	p0 =	sne.s32 s1, $0x0;
	_ =	strace $0x90000047  }
0x35: {  	s0 =	sadd.s32 @!p0 $0x100000, s0;
	[bflag:$0x2] =	sbarrier.arrive $0xFFFF  }
0x36: {  	[sflag:s0] =	ssyncadd.tile.s32 @!p0 $0x1;
	_ =	shalt  }
.Lfunc_end2:
_tile_overlayer_lowered:
.L_overlay_start_2:
0x37: {  	(tag) =	ssettag $0x2  }
0x38: {  	s0 =	rddreg [dreg:$0x0];
	s2 =	stileid.u32  }
0x39: {  	s1 =	rddreg [dreg:$0x1];
	p0 =	sne.s32 s2, $0x0  }
0x3a: {  	s3 =	rddreg [dreg:$0x2];
	[bflag:$0x3] =	sbarrier.arrive $0xFFFF;
	s2 =	simm.s32 @!p0 $0x1C02  }
0x3b: {  	[timem:s3], [sflag:s2] =	dma.local @!p0 [hbm:s0], s1  }
0x3c: {  	s0 =	simm.s32 @!p0 $0x2  }
0x3d: {  	_ =	swait.ge @!p0 [sflag:s0], s1  }
0x3e: {  	s1 =	ssub.s32 @!p0 $0x0, s1;
	[sflag:s0] =	ssyncset.done @!p0 $0x0  }
0x3f: {  	[sflag:s0] =	ssyncadd.s32 @!p0 s1  }
0x40: {  	[bflag:$0x3] =	sbarrier.arrive $0xFFFF  }
0x41: {  	_ =	shalt  }

</sc_bundles>
